<compile_context>
chip_gen: v7x
topology: tpu7x:2x2x1
jax: 0.10.2.dev20260603
libtpu: 0.0.44.dev20260713+nightly
codegen_flags: <defaults>
</compile_context>

<pallas_src>
import functools

import jax
import jax.numpy as jnp
from jax import lax
from jax.experimental import pallas as pl
from jax.experimental.pallas import tpu as pltpu
from jax.experimental.pallas import tpu_sc as plsc

E = 100000
S = 128
NX = 256
NY = 256
DX = 2.0
DY = 2.0
TIME_RES = 400.0
C_MM_PER_PS = 0.299792458
FWHM_TO_SIGMA = 2.3548200450309493

NC = 2
NS = 16
NW = NC * NS
GROUPS_PER_W = 196
EV_PER_W = GROUPS_PER_W * 16

PAD = 24
PX_DIM = NX + 2 * PAD
PY_DIM = NY + 2 * PAD
IMG_WORDS = PX_DIM * PY_DIM

SIGMA = TIME_RES * C_MM_PER_PS * 0.5 / FWHM_TO_SIGMA
Q = 1.0 / (SIGMA * (2.0 ** 0.5))
HALF_C = C_MM_PER_PS * 0.5
DT = 1.0 / (S - 1)



def _rsqrt(x):
    xi = lax.bitcast_convert_type(x, jnp.int32)
    yi = jnp.int32(0x5F3759DF) - (xi >> 1)
    y = lax.bitcast_convert_type(yi, jnp.float32)
    for _ in range(3):
        y = y * (1.5 - 0.5 * x * y * y)
    return y


def _sc_project(img, tof, x1l, y1l, x1r, y1r, x2l, y2l, x2r, y2r):
    mesh = plsc.VectorSubcoreMesh(core_axis_name="c", subcore_axis_name="s")

    @functools.partial(
        pl.kernel,
        mesh=mesh,
        out_type=jax.ShapeDtypeStruct((E,), jnp.float32),
        compiler_params=pltpu.CompilerParams(needs_layout_passes=False),
        scratch_types=[pltpu.VMEM((IMG_WORDS,), jnp.float32)]
        + [pltpu.VMEM((EV_PER_W,), jnp.float32) for _ in range(10)]
        + [pltpu.SemaphoreType.DMA],
    )
    def run(img_h, tof_h, x1l_h, y1l_h, x1r_h, y1r_h, x2l_h, y2l_h,
            x2r_h, y2r_h, out_h, img_v, tof_v, x1l_v, y1l_v, x1r_v,
            y1r_v, x2l_v, y2l_v, x2r_v, y2r_v, out_v, dma_sem):
        wid = lax.axis_index("s") * NC + lax.axis_index("c")
        base = jnp.minimum(wid * EV_PER_W, E - EV_PER_W)
        copies = [pltpu.async_copy(img_h, img_v, dma_sem)]
        for h, v in ((tof_h, tof_v), (x1l_h, x1l_v), (y1l_h, y1l_v),
                     (x1r_h, x1r_v), (y1r_h, y1r_v), (x2l_h, x2l_v),
                     (y2l_h, y2l_v), (x2r_h, x2r_v), (y2r_h, y2r_v)):
            copies.append(
                pltpu.async_copy(h.at[pl.ds(base, EV_PER_W)], v, dma_sem))
        for cp in copies:
            cp.wait()

        def group(g, carry):
            off = g * 16
            x1 = 0.5 * (x1l_v[pl.ds(off, 16)] + x1r_v[pl.ds(off, 16)])
            y1 = 0.5 * (y1l_v[pl.ds(off, 16)] + y1r_v[pl.ds(off, 16)])
            x2 = 0.5 * (x2l_v[pl.ds(off, 16)] + x2r_v[pl.ds(off, 16)])
            y2 = 0.5 * (y2l_v[pl.ds(off, 16)] + y2r_v[pl.ds(off, 16)])
            tofv = tof_v[pl.ds(off, 16)]
            ddx = x2 - x1
            ddy = y2 - y1
            l2 = ddx * ddx + ddy * ddy
            rl = _rsqrt(l2)
            ln = l2 * rl
            fx0 = x1 * (1.0 / DX) + (NX * 0.5 - 0.5 + PAD)
            dfx = ddx * (DT / DX)
            fy0 = y1 * (1.0 / DY) + (NY * 0.5 - 0.5 + PAD)
            dfy = ddy * (DT / DY)
            zz0 = -(0.5 * ln + tofv * HALF_C) * Q
            dzz = ln * (DT * Q)
            scale = ln * DT

            def sample(_, c):
                acc, fx, fy, zz = c
                w = jnp.exp(-(zz * zz))
                ixf = fx.astype(jnp.int32)
                iyf = fy.astype(jnp.int32)
                wx = fx - ixf.astype(jnp.float32)
                wy = fy - iyf.astype(jnp.float32)
                idx = ixf * PY_DIM + iyf
                v00 = plsc.load_gather(img_v, [idx])
                v01 = plsc.load_gather(img_v, [idx + 1])
                v10 = plsc.load_gather(img_v, [idx + PY_DIM])
                v11 = plsc.load_gather(img_v, [idx + (PY_DIM + 1)])
                vx0 = v00 + wx * (v10 - v00)
                vx1 = v01 + wx * (v11 - v01)
                val = vx0 + wy * (vx1 - vx0)
                return (acc + val * w, fx + dfx, fy + dfy, zz + dzz)

            acc, _, _, _ = lax.fori_loop(
                0, S, sample,
                (jnp.zeros((16,), jnp.float32), fx0, fy0, zz0),
                unroll=8)
            out_v[pl.ds(off, 16)] = acc * scale
            return carry

        lax.fori_loop(0, GROUPS_PER_W, group, 0)
        pltpu.sync_copy(out_v, out_h.at[pl.ds(base, EV_PER_W)])

    return run(img, tof, x1l, y1l, x1r, y1r, x2l, y2l, x2r, y2r)


def kernel(image, tof_value, x1l, y1l, x1r, y1r, x2l, y2l, x2r, y2r):
    imgp = jnp.zeros((PX_DIM, PY_DIM), jnp.float32)
    imgp = imgp.at[PAD:PAD + NX, PAD:PAD + NY].set(image)
    return _sc_project(imgp.reshape(-1), tof_value, x1l, y1l, x1r, y1r,
                       x2l, y2l, x2r, y2r)

# --- scband reference (transcript-rebuilt; emitter-appended) ---
"""Pipeline reference for scband-project-23682449670327 (READ-ONLY COPY).

The authoritative reference and input builder live on the scoring server;
editing this copy changes nothing except your own understanding.
"""

import jax, jax.numpy as jnp
import numpy as np

E = 100000          # event_num (number of LORs)
S = 128             # samples per ray
NX = 256
NY = 256
DX = 2.0            # mm
DY = 2.0            # mm
TIME_RES = 400.0    # ps, FWHM timing resolution
C_MM_PER_PS = 0.299792458
FWHM_TO_SIGMA = 2.3548200450309493


def setup_inputs(seed: int = 0) -> dict:
    key = jax.random.key(seed)
    k1, k2, k3, k4 = jax.random.split(key, 4)
    R = 300.0  # detector ring radius in mm
    theta1 = jax.random.uniform(k1, (E,), minval=0.0, maxval=2.0 * np.pi)
    theta2 = theta1 + np.pi + jax.random.uniform(k2, (E,), minval=-0.7, maxval=0.7)
    half = 0.004  # angular half-width of a crystal (~1.2mm at R=300mm)
    f32 = lambda a: a.astype(jnp.float32)
    x1l = f32(R * jnp.cos(theta1 - half)); y1l = f32(R * jnp.sin(theta1 - half))
    x1r = f32(R * jnp.cos(theta1 + half)); y1r = f32(R * jnp.sin(theta1 + half))
    x2l = f32(R * jnp.cos(theta2 - half)); y2l = f32(R * jnp.sin(theta2 - half))
    x2r = f32(R * jnp.cos(theta2 + half)); y2r = f32(R * jnp.sin(theta2 + half))
    tof_value = (jax.random.normal(k3, (E,)) * 300.0).astype(jnp.float32)  # ps
    image = jax.random.uniform(k4, (NX, NY), dtype=jnp.float32)
    return {
        "image": image, "tof_value": tof_value,
        "x1l": x1l, "y1l": y1l, "x1r": x1r, "y1r": y1r,
        "x2l": x2l, "y2l": y2l, "x2r": x2r, "y2r": y2r,
    }


def _project(image, tof_value, x1l, y1l, x1r, y1r, x2l, y2l, x2r, y2r):
    # crystal centers = midpoint of left/right crystal edges
    x1 = 0.5 * (x1l + x1r); y1 = 0.5 * (y1l + y1r)
    x2 = 0.5 * (x2l + x2r); y2 = 0.5 * (y2l + y2r)
    ddx = x2 - x1; ddy = y2 - y1
    L = jnp.sqrt(ddx * ddx + ddy * ddy) + 1e-12  # LOR length, mm
    t = jnp.linspace(0.0, 1.0, S, dtype=jnp.float32)  # (S,)
    px = x1[:, None] + t[None, :] * ddx[:, None]       # (E, S)
    py = y1[:, None] + t[None, :] * ddy[:, None]
    # signed distance from LOR midpoint along ray direction
    s = (t[None, :] - 0.5) * L[:, None]
    # TOF kernel center and width
    offset = tof_value * (C_MM_PER_PS * 0.5)                      # (E,)
    sigma = TIME_RES * C_MM_PER_PS * 0.5 / FWHM_TO_SIGMA          # scalar, mm
    z = (s - offset[:, None]) / sigma
    w = jnp.exp(-0.5 * z * z)
    # world -> pixel coordinates (pixel centers at (i - nx/2 + 0.5) * dx)
    fx = px / DX + NX * 0.5 - 0.5
    fy = py / DY + NY * 0.5 - 0.5
    ix0f = jnp.floor(fx); iy0f = jnp.floor(fy)
    wx = fx - ix0f; wy = fy - iy0f
    ix0 = ix0f.astype(jnp.int32); iy0 = iy0f.astype(jnp.int32)
    ix1 = ix0 + 1; iy1 = iy0 + 1
    flat = image.reshape(-1)

    def gather(ix, iy):
        valid = (ix >= 0) & (ix < NX) & (iy >= 0) & (iy < NY)
        ixc = jnp.clip(ix, 0, NX - 1)
        iyc = jnp.clip(iy, 0, NY - 1)
        v = jnp.take(flat, ixc * NY + iyc)
        return jnp.where(valid, v, 0.0)

    v00 = gather(ix0, iy0); v01 = gather(ix0, iy1)
    v10 = gather(ix1, iy0); v11 = gather(ix1, iy1)
    val = (v00 * (1.0 - wx) * (1.0 - wy)
           + v01 * (1.0 - wx) * wy
           + v10 * wx * (1.0 - wy)
           + v11 * wx * wy)
    step = (L / (S - 1))[:, None]
    samples = (val * w * step).reshape(-1)           # (E*S,)
    seg_ids = jnp.repeat(jnp.arange(E, dtype=jnp.int32), S)
    proj = jax.ops.segment_sum(samples, seg_ids, num_segments=E)
    return proj


def reference(image, tof_value, x1l, y1l, x1r, y1r, x2l, y2l, x2r, y2r):
    return _project(image, tof_value, x1l, y1l, x1r, y1r, x2l, y2l, x2r, y2r)

if __name__ == "__main__":
    import jax
    _d = setup_inputs()
    print(jax.jit(kernel)(*tuple(_d.values())))

</pallas_src>

<mosaic_0001>
#map = affine_map<(d0, d1) -> (0)>
module attributes {stable_mosaic.version = 14 : i64} {
  func.func @run(%arg0: i32, %arg1: i32, %arg2: memref<92416xf32, #tpu.memory_space<hbm>>, %arg3: memref<100000xf32, #tpu.memory_space<hbm>>, %arg4: memref<100000xf32, #tpu.memory_space<hbm>>, %arg5: memref<100000xf32, #tpu.memory_space<hbm>>, %arg6: memref<100000xf32, #tpu.memory_space<hbm>>, %arg7: memref<100000xf32, #tpu.memory_space<hbm>>, %arg8: memref<100000xf32, #tpu.memory_space<hbm>>, %arg9: memref<100000xf32, #tpu.memory_space<hbm>>, %arg10: memref<100000xf32, #tpu.memory_space<hbm>>, %arg11: memref<100000xf32, #tpu.memory_space<hbm>>, %arg12: memref<100000xf32, #tpu.memory_space<hbm>>, %arg13: memref<92416xf32, #tpu.memory_space<vmem>>, %arg14: memref<3136xf32, #tpu.memory_space<vmem>>, %arg15: memref<3136xf32, #tpu.memory_space<vmem>>, %arg16: memref<3136xf32, #tpu.memory_space<vmem>>, %arg17: memref<3136xf32, #tpu.memory_space<vmem>>, %arg18: memref<3136xf32, #tpu.memory_space<vmem>>, %arg19: memref<3136xf32, #tpu.memory_space<vmem>>, %arg20: memref<3136xf32, #tpu.memory_space<vmem>>, %arg21: memref<3136xf32, #tpu.memory_space<vmem>>, %arg22: memref<3136xf32, #tpu.memory_space<vmem>>, %arg23: memref<3136xf32, #tpu.memory_space<vmem>>, %arg24: memref<!tpu.dma_semaphore, #tpu.memory_space<semaphore_mem>>) attributes {dimension_semantics = [#tpu.dimension_semantics<core_parallel>, #tpu.dimension_semantics<subcore_parallel>], iteration_bounds = array<i64: 2, 16>, scalar_prefetch = 0 : i64, scratch_operands = 12 : i64, tpu.core_type = #tpu.core_type<sc_vector_subcore>, window_params = [{transform_indices = #map}, {transform_indices = #map}, {transform_indices = #map}, {transform_indices = #map}, {transform_indices = #map}, {transform_indices = #map}, {transform_indices = #map}, {transform_indices = #map}, {transform_indices = #map}, {transform_indices = #map}, {transform_indices = #map}]} {
    %mul3A = arith.constant 2 : i32
    %mul3A_0 = arith.muli %arg1, %mul3A : i32
    %add3A = arith.addi %mul3A_0, %arg0 : i32
    %mul3A_1 = arith.constant 3136 : i32
    %mul3A_2 = arith.muli %add3A, %mul3A_1 : i32
    %min3A = arith.constant 96864 : i32
    %min3A_3 = arith.minsi %mul3A_2, %min3A : i32
    tpu.enqueue_dma source(%arg2 : memref<92416xf32, #tpu.memory_space<hbm>>) target(%arg13 : memref<92416xf32, #tpu.memory_space<vmem>>) target_semaphore(%arg24 : memref<!tpu.dma_semaphore, #tpu.memory_space<semaphore_mem>>)
    %dma_start3A = tpu.memref_slice %arg3[%min3A_3] : memref<100000xf32, #tpu.memory_space<hbm>> -> memref<3136xf32, #tpu.memory_space<hbm>>
    %dma_start3A_4 = tpu.memref_slice %arg3[%min3A_3] : memref<100000xf32, #tpu.memory_space<hbm>> -> memref<3136xf32, #tpu.memory_space<hbm>>
    tpu.enqueue_dma source(%dma_start3A_4 : memref<3136xf32, #tpu.memory_space<hbm>>) target(%arg14 : memref<3136xf32, #tpu.memory_space<vmem>>) target_semaphore(%arg24 : memref<!tpu.dma_semaphore, #tpu.memory_space<semaphore_mem>>)
    %dma_start3A_5 = tpu.memref_slice %arg4[%min3A_3] : memref<100000xf32, #tpu.memory_space<hbm>> -> memref<3136xf32, #tpu.memory_space<hbm>>
    %dma_start3A_6 = tpu.memref_slice %arg4[%min3A_3] : memref<100000xf32, #tpu.memory_space<hbm>> -> memref<3136xf32, #tpu.memory_space<hbm>>
    tpu.enqueue_dma source(%dma_start3A_6 : memref<3136xf32, #tpu.memory_space<hbm>>) target(%arg15 : memref<3136xf32, #tpu.memory_space<vmem>>) target_semaphore(%arg24 : memref<!tpu.dma_semaphore, #tpu.memory_space<semaphore_mem>>)
    %dma_start3A_7 = tpu.memref_slice %arg5[%min3A_3] : memref<100000xf32, #tpu.memory_space<hbm>> -> memref<3136xf32, #tpu.memory_space<hbm>>
    %dma_start3A_8 = tpu.memref_slice %arg5[%min3A_3] : memref<100000xf32, #tpu.memory_space<hbm>> -> memref<3136xf32, #tpu.memory_space<hbm>>
    tpu.enqueue_dma source(%dma_start3A_8 : memref<3136xf32, #tpu.memory_space<hbm>>) target(%arg16 : memref<3136xf32, #tpu.memory_space<vmem>>) target_semaphore(%arg24 : memref<!tpu.dma_semaphore, #tpu.memory_space<semaphore_mem>>)
    %dma_start3A_9 = tpu.memref_slice %arg6[%min3A_3] : memref<100000xf32, #tpu.memory_space<hbm>> -> memref<3136xf32, #tpu.memory_space<hbm>>
    %dma_start3A_10 = tpu.memref_slice %arg6[%min3A_3] : memref<100000xf32, #tpu.memory_space<hbm>> -> memref<3136xf32, #tpu.memory_space<hbm>>
    tpu.enqueue_dma source(%dma_start3A_10 : memref<3136xf32, #tpu.memory_space<hbm>>) target(%arg17 : memref<3136xf32, #tpu.memory_space<vmem>>) target_semaphore(%arg24 : memref<!tpu.dma_semaphore, #tpu.memory_space<semaphore_mem>>)
    %dma_start3A_11 = tpu.memref_slice %arg7[%min3A_3] : memref<100000xf32, #tpu.memory_space<hbm>> -> memref<3136xf32, #tpu.memory_space<hbm>>
    %dma_start3A_12 = tpu.memref_slice %arg7[%min3A_3] : memref<100000xf32, #tpu.memory_space<hbm>> -> memref<3136xf32, #tpu.memory_space<hbm>>
    tpu.enqueue_dma source(%dma_start3A_12 : memref<3136xf32, #tpu.memory_space<hbm>>) target(%arg18 : memref<3136xf32, #tpu.memory_space<vmem>>) target_semaphore(%arg24 : memref<!tpu.dma_semaphore, #tpu.memory_space<semaphore_mem>>)
    %dma_start3A_13 = tpu.memref_slice %arg8[%min3A_3] : memref<100000xf32, #tpu.memory_space<hbm>> -> memref<3136xf32, #tpu.memory_space<hbm>>
    %dma_start3A_14 = tpu.memref_slice %arg8[%min3A_3] : memref<100000xf32, #tpu.memory_space<hbm>> -> memref<3136xf32, #tpu.memory_space<hbm>>
    tpu.enqueue_dma source(%dma_start3A_14 : memref<3136xf32, #tpu.memory_space<hbm>>) target(%arg19 : memref<3136xf32, #tpu.memory_space<vmem>>) target_semaphore(%arg24 : memref<!tpu.dma_semaphore, #tpu.memory_space<semaphore_mem>>)
    %dma_start3A_15 = tpu.memref_slice %arg9[%min3A_3] : memref<100000xf32, #tpu.memory_space<hbm>> -> memref<3136xf32, #tpu.memory_space<hbm>>
    %dma_start3A_16 = tpu.memref_slice %arg9[%min3A_3] : memref<100000xf32, #tpu.memory_space<hbm>> -> memref<3136xf32, #tpu.memory_space<hbm>>
    tpu.enqueue_dma source(%dma_start3A_16 : memref<3136xf32, #tpu.memory_space<hbm>>) target(%arg20 : memref<3136xf32, #tpu.memory_space<vmem>>) target_semaphore(%arg24 : memref<!tpu.dma_semaphore, #tpu.memory_space<semaphore_mem>>)
    %dma_start3A_17 = tpu.memref_slice %arg10[%min3A_3] : memref<100000xf32, #tpu.memory_space<hbm>> -> memref<3136xf32, #tpu.memory_space<hbm>>
    %dma_start3A_18 = tpu.memref_slice %arg10[%min3A_3] : memref<100000xf32, #tpu.memory_space<hbm>> -> memref<3136xf32, #tpu.memory_space<hbm>>
    tpu.enqueue_dma source(%dma_start3A_18 : memref<3136xf32, #tpu.memory_space<hbm>>) target(%arg21 : memref<3136xf32, #tpu.memory_space<vmem>>) target_semaphore(%arg24 : memref<!tpu.dma_semaphore, #tpu.memory_space<semaphore_mem>>)
    %dma_start3A_19 = tpu.memref_slice %arg11[%min3A_3] : memref<100000xf32, #tpu.memory_space<hbm>> -> memref<3136xf32, #tpu.memory_space<hbm>>
    %dma_start3A_20 = tpu.memref_slice %arg11[%min3A_3] : memref<100000xf32, #tpu.memory_space<hbm>> -> memref<3136xf32, #tpu.memory_space<hbm>>
    tpu.enqueue_dma source(%dma_start3A_20 : memref<3136xf32, #tpu.memory_space<hbm>>) target(%arg22 : memref<3136xf32, #tpu.memory_space<vmem>>) target_semaphore(%arg24 : memref<!tpu.dma_semaphore, #tpu.memory_space<semaphore_mem>>)
    tpu.wait_dma2 semaphore(%arg24 : memref<!tpu.dma_semaphore, #tpu.memory_space<semaphore_mem>>) src(%arg2 : memref<92416xf32, #tpu.memory_space<hbm>>) dst(%arg13 : memref<92416xf32, #tpu.memory_space<vmem>>)
    %dma_wait3A = tpu.memref_slice %arg3[%min3A_3] : memref<100000xf32, #tpu.memory_space<hbm>> -> memref<3136xf32, #tpu.memory_space<hbm>>
    %dma_wait3A_21 = tpu.memref_slice %arg3[%min3A_3] : memref<100000xf32, #tpu.memory_space<hbm>> -> memref<3136xf32, #tpu.memory_space<hbm>>
    tpu.wait_dma2 semaphore(%arg24 : memref<!tpu.dma_semaphore, #tpu.memory_space<semaphore_mem>>) src(%dma_wait3A_21 : memref<3136xf32, #tpu.memory_space<hbm>>) dst(%arg14 : memref<3136xf32, #tpu.memory_space<vmem>>)
    %dma_wait3A_22 = tpu.memref_slice %arg4[%min3A_3] : memref<100000xf32, #tpu.memory_space<hbm>> -> memref<3136xf32, #tpu.memory_space<hbm>>
    %dma_wait3A_23 = tpu.memref_slice %arg4[%min3A_3] : memref<100000xf32, #tpu.memory_space<hbm>> -> memref<3136xf32, #tpu.memory_space<hbm>>
    tpu.wait_dma2 semaphore(%arg24 : memref<!tpu.dma_semaphore, #tpu.memory_space<semaphore_mem>>) src(%dma_wait3A_23 : memref<3136xf32, #tpu.memory_space<hbm>>) dst(%arg15 : memref<3136xf32, #tpu.memory_space<vmem>>)
    %dma_wait3A_24 = tpu.memref_slice %arg5[%min3A_3] : memref<100000xf32, #tpu.memory_space<hbm>> -> memref<3136xf32, #tpu.memory_space<hbm>>
    %dma_wait3A_25 = tpu.memref_slice %arg5[%min3A_3] : memref<100000xf32, #tpu.memory_space<hbm>> -> memref<3136xf32, #tpu.memory_space<hbm>>
    tpu.wait_dma2 semaphore(%arg24 : memref<!tpu.dma_semaphore, #tpu.memory_space<semaphore_mem>>) src(%dma_wait3A_25 : memref<3136xf32, #tpu.memory_space<hbm>>) dst(%arg16 : memref<3136xf32, #tpu.memory_space<vmem>>)
    %dma_wait3A_26 = tpu.memref_slice %arg6[%min3A_3] : memref<100000xf32, #tpu.memory_space<hbm>> -> memref<3136xf32, #tpu.memory_space<hbm>>
    %dma_wait3A_27 = tpu.memref_slice %arg6[%min3A_3] : memref<100000xf32, #tpu.memory_space<hbm>> -> memref<3136xf32, #tpu.memory_space<hbm>>
    tpu.wait_dma2 semaphore(%arg24 : memref<!tpu.dma_semaphore, #tpu.memory_space<semaphore_mem>>) src(%dma_wait3A_27 : memref<3136xf32, #tpu.memory_space<hbm>>) dst(%arg17 : memref<3136xf32, #tpu.memory_space<vmem>>)
    %dma_wait3A_28 = tpu.memref_slice %arg7[%min3A_3] : memref<100000xf32, #tpu.memory_space<hbm>> -> memref<3136xf32, #tpu.memory_space<hbm>>
    %dma_wait3A_29 = tpu.memref_slice %arg7[%min3A_3] : memref<100000xf32, #tpu.memory_space<hbm>> -> memref<3136xf32, #tpu.memory_space<hbm>>
    tpu.wait_dma2 semaphore(%arg24 : memref<!tpu.dma_semaphore, #tpu.memory_space<semaphore_mem>>) src(%dma_wait3A_29 : memref<3136xf32, #tpu.memory_space<hbm>>) dst(%arg18 : memref<3136xf32, #tpu.memory_space<vmem>>)
    %dma_wait3A_30 = tpu.memref_slice %arg8[%min3A_3] : memref<100000xf32, #tpu.memory_space<hbm>> -> memref<3136xf32, #tpu.memory_space<hbm>>
    %dma_wait3A_31 = tpu.memref_slice %arg8[%min3A_3] : memref<100000xf32, #tpu.memory_space<hbm>> -> memref<3136xf32, #tpu.memory_space<hbm>>
    tpu.wait_dma2 semaphore(%arg24 : memref<!tpu.dma_semaphore, #tpu.memory_space<semaphore_mem>>) src(%dma_wait3A_31 : memref<3136xf32, #tpu.memory_space<hbm>>) dst(%arg19 : memref<3136xf32, #tpu.memory_space<vmem>>)
    %dma_wait3A_32 = tpu.memref_slice %arg9[%min3A_3] : memref<100000xf32, #tpu.memory_space<hbm>> -> memref<3136xf32, #tpu.memory_space<hbm>>
    %dma_wait3A_33 = tpu.memref_slice %arg9[%min3A_3] : memref<100000xf32, #tpu.memory_space<hbm>> -> memref<3136xf32, #tpu.memory_space<hbm>>
    tpu.wait_dma2 semaphore(%arg24 : memref<!tpu.dma_semaphore, #tpu.memory_space<semaphore_mem>>) src(%dma_wait3A_33 : memref<3136xf32, #tpu.memory_space<hbm>>) dst(%arg20 : memref<3136xf32, #tpu.memory_space<vmem>>)
    %dma_wait3A_34 = tpu.memref_slice %arg10[%min3A_3] : memref<100000xf32, #tpu.memory_space<hbm>> -> memref<3136xf32, #tpu.memory_space<hbm>>
    %dma_wait3A_35 = tpu.memref_slice %arg10[%min3A_3] : memref<100000xf32, #tpu.memory_space<hbm>> -> memref<3136xf32, #tpu.memory_space<hbm>>
    tpu.wait_dma2 semaphore(%arg24 : memref<!tpu.dma_semaphore, #tpu.memory_space<semaphore_mem>>) src(%dma_wait3A_35 : memref<3136xf32, #tpu.memory_space<hbm>>) dst(%arg21 : memref<3136xf32, #tpu.memory_space<vmem>>)
    %dma_wait3A_36 = tpu.memref_slice %arg11[%min3A_3] : memref<100000xf32, #tpu.memory_space<hbm>> -> memref<3136xf32, #tpu.memory_space<hbm>>
    %dma_wait3A_37 = tpu.memref_slice %arg11[%min3A_3] : memref<100000xf32, #tpu.memory_space<hbm>> -> memref<3136xf32, #tpu.memory_space<hbm>>
    tpu.wait_dma2 semaphore(%arg24 : memref<!tpu.dma_semaphore, #tpu.memory_space<semaphore_mem>>) src(%dma_wait3A_37 : memref<3136xf32, #tpu.memory_space<hbm>>) dst(%arg22 : memref<3136xf32, #tpu.memory_space<vmem>>)
    %scan3A = arith.constant 0 : i32
    %scan3A_38 = arith.constant 0 : i32
    %scan3A_39 = arith.constant 196 : i32
    %scan3A_40 = arith.addi %scan3A_38, %scan3A_39 : i32
    %scan3A_41 = arith.constant 1 : i32
    scf.for %scan3A_43 = %scan3A_38 to %scan3A_40 step %scan3A_41  : i32 {
      %mul3A_44 = arith.constant 16 : i32
      %mul3A_45 = arith.muli %scan3A_43, %mul3A_44 : i32
      %get3A = arith.index_cast %mul3A_45 : i32 to index
      %get3A_46 = tpu.vector_load %arg15[%get3A] {strides = array<i32>} : memref<3136xf32, #tpu.memory_space<vmem>>, vector<16xf32>,
      %get3A_47 = arith.index_cast %mul3A_45 : i32 to index
      %get3A_48 = tpu.vector_load %arg17[%get3A_47] {strides = array<i32>} : memref<3136xf32, #tpu.memory_space<vmem>>, vector<16xf32>,
      %add3A_49 = arith.addf %get3A_46, %get3A_48 : vector<16xf32>
      %mul3A_50 = arith.constant 5.000000e-01 : f32
      %mul3A_51 = vector.broadcast %mul3A_50 : f32 to vector<16xf32>
      %mul3A_52 = arith.mulf %mul3A_51, %add3A_49 : vector<16xf32>
      %get3A_53 = arith.index_cast %mul3A_45 : i32 to index
      %get3A_54 = tpu.vector_load %arg16[%get3A_53] {strides = array<i32>} : memref<3136xf32, #tpu.memory_space<vmem>>, vector<16xf32>,
      %get3A_55 = arith.index_cast %mul3A_45 : i32 to index
      %get3A_56 = tpu.vector_load %arg18[%get3A_55] {strides = array<i32>} : memref<3136xf32, #tpu.memory_space<vmem>>, vector<16xf32>,
      %add3A_57 = arith.addf %get3A_54, %get3A_56 : vector<16xf32>
      %mul3A_58 = arith.constant 5.000000e-01 : f32
      %mul3A_59 = vector.broadcast %mul3A_58 : f32 to vector<16xf32>
      %mul3A_60 = arith.mulf %mul3A_59, %add3A_57 : vector<16xf32>
      %get3A_61 = arith.index_cast %mul3A_45 : i32 to index
      %get3A_62 = tpu.vector_load %arg19[%get3A_61] {strides = array<i32>} : memref<3136xf32, #tpu.memory_space<vmem>>, vector<16xf32>,
      %get3A_63 = arith.index_cast %mul3A_45 : i32 to index
      %get3A_64 = tpu.vector_load %arg21[%get3A_63] {strides = array<i32>} : memref<3136xf32, #tpu.memory_space<vmem>>, vector<16xf32>,
      %add3A_65 = arith.addf %get3A_62, %get3A_64 : vector<16xf32>
      %mul3A_66 = arith.constant 5.000000e-01 : f32
      %mul3A_67 = vector.broadcast %mul3A_66 : f32 to vector<16xf32>
      %mul3A_68 = arith.mulf %mul3A_67, %add3A_65 : vector<16xf32>
      %get3A_69 = arith.index_cast %mul3A_45 : i32 to index
      %get3A_70 = tpu.vector_load %arg20[%get3A_69] {strides = array<i32>} : memref<3136xf32, #tpu.memory_space<vmem>>, vector<16xf32>,
      %get3A_71 = arith.index_cast %mul3A_45 : i32 to index
      %get3A_72 = tpu.vector_load %arg22[%get3A_71] {strides = array<i32>} : memref<3136xf32, #tpu.memory_space<vmem>>, vector<16xf32>,
      %add3A_73 = arith.addf %get3A_70, %get3A_72 : vector<16xf32>
      %mul3A_74 = arith.constant 5.000000e-01 : f32
      %mul3A_75 = vector.broadcast %mul3A_74 : f32 to vector<16xf32>
      %mul3A_76 = arith.mulf %mul3A_75, %add3A_73 : vector<16xf32>
      %get3A_77 = arith.index_cast %mul3A_45 : i32 to index
      %get3A_78 = tpu.vector_load %arg14[%get3A_77] {strides = array<i32>} : memref<3136xf32, #tpu.memory_space<vmem>>, vector<16xf32>,
      %sub3A = arith.subf %mul3A_68, %mul3A_52 : vector<16xf32>
      %sub3A_79 = arith.subf %mul3A_76, %mul3A_60 : vector<16xf32>
      %mul3A_80 = arith.mulf %sub3A, %sub3A : vector<16xf32>
      %mul3A_81 = arith.mulf %sub3A_79, %sub3A_79 : vector<16xf32>
      %add3A_82 = arith.addf %mul3A_80, %mul3A_81 : vector<16xf32>
      %bitcast_convert_type3A = tpu.bitcast %add3A_82 : vector<16xf32> -> vector<16xi32>
      %shift_right_arithmetic3A = arith.constant 1 : i32
      %shift_right_arithmetic3A_83 = vector.broadcast %shift_right_arithmetic3A : i32 to vector<16xi32>
      %shift_right_arithmetic3A_84 = arith.shrsi %bitcast_convert_type3A, %shift_right_arithmetic3A_83 : vector<16xi32>
      %sub3A_85 = arith.constant 1597463007 : i32
      %sub3A_86 = vector.broadcast %sub3A_85 : i32 to vector<16xi32>
      %sub3A_87 = arith.subi %sub3A_86, %shift_right_arithmetic3A_84 : vector<16xi32>
      %bitcast_convert_type3A_88 = tpu.bitcast %sub3A_87 : vector<16xi32> -> vector<16xf32>
      %mul3A_89 = arith.constant 5.000000e-01 : f32
      %mul3A_90 = vector.broadcast %mul3A_89 : f32 to vector<16xf32>
      %mul3A_91 = arith.mulf %mul3A_90, %add3A_82 : vector<16xf32>
      %mul3A_92 = arith.mulf %mul3A_91, %bitcast_convert_type3A_88 : vector<16xf32>
      %mul3A_93 = arith.mulf %mul3A_92, %bitcast_convert_type3A_88 : vector<16xf32>
      %sub3A_94 = arith.constant 1.500000e+00 : f32
      %sub3A_95 = vector.broadcast %sub3A_94 : f32 to vector<16xf32>
      %sub3A_96 = arith.subf %sub3A_95, %mul3A_93 : vector<16xf32>
      %mul3A_97 = arith.mulf %bitcast_convert_type3A_88, %sub3A_96 : vector<16xf32>
      %mul3A_98 = arith.constant 5.000000e-01 : f32
      %mul3A_99 = vector.broadcast %mul3A_98 : f32 to vector<16xf32>
      %mul3A_100 = arith.mulf %mul3A_99, %add3A_82 : vector<16xf32>
      %mul3A_101 = arith.mulf %mul3A_100, %mul3A_97 : vector<16xf32>
      %mul3A_102 = arith.mulf %mul3A_101, %mul3A_97 : vector<16xf32>
      %sub3A_103 = arith.constant 1.500000e+00 : f32
      %sub3A_104 = vector.broadcast %sub3A_103 : f32 to vector<16xf32>
      %sub3A_105 = arith.subf %sub3A_104, %mul3A_102 : vector<16xf32>
      %mul3A_106 = arith.mulf %mul3A_97, %sub3A_105 : vector<16xf32>
      %mul3A_107 = arith.constant 5.000000e-01 : f32
      %mul3A_108 = vector.broadcast %mul3A_107 : f32 to vector<16xf32>
      %mul3A_109 = arith.mulf %mul3A_108, %add3A_82 : vector<16xf32>
      %mul3A_110 = arith.mulf %mul3A_109, %mul3A_106 : vector<16xf32>
      %mul3A_111 = arith.mulf %mul3A_110, %mul3A_106 : vector<16xf32>
      %sub3A_112 = arith.constant 1.500000e+00 : f32
      %sub3A_113 = vector.broadcast %sub3A_112 : f32 to vector<16xf32>
      %sub3A_114 = arith.subf %sub3A_113, %mul3A_111 : vector<16xf32>
      %mul3A_115 = arith.mulf %mul3A_106, %sub3A_114 : vector<16xf32>
      %mul3A_116 = arith.mulf %add3A_82, %mul3A_115 : vector<16xf32>
      %mul3A_117 = arith.constant 5.000000e-01 : f32
      %mul3A_118 = vector.broadcast %mul3A_117 : f32 to vector<16xf32>
      %mul3A_119 = arith.mulf %mul3A_52, %mul3A_118 : vector<16xf32>
      %add3A_120 = arith.constant 1.515000e+02 : f32
      %add3A_121 = vector.broadcast %add3A_120 : f32 to vector<16xf32>
      %add3A_122 = arith.addf %mul3A_119, %add3A_121 : vector<16xf32>
      %mul3A_123 = arith.constant 0.00393700786 : f32
      %mul3A_124 = vector.broadcast %mul3A_123 : f32 to vector<16xf32>
      %mul3A_125 = arith.mulf %sub3A, %mul3A_124 : vector<16xf32>
      %mul3A_126 = arith.constant 5.000000e-01 : f32
      %mul3A_127 = vector.broadcast %mul3A_126 : f32 to vector<16xf32>
      %mul3A_128 = arith.mulf %mul3A_60, %mul3A_127 : vector<16xf32>
      %add3A_129 = arith.constant 1.515000e+02 : f32
      %add3A_130 = vector.broadcast %add3A_129 : f32 to vector<16xf32>
      %add3A_131 = arith.addf %mul3A_128, %add3A_130 : vector<16xf32>
      %mul3A_132 = arith.constant 0.00393700786 : f32
      %mul3A_133 = vector.broadcast %mul3A_132 : f32 to vector<16xf32>
      %mul3A_134 = arith.mulf %sub3A_79, %mul3A_133 : vector<16xf32>
      %mul3A_135 = arith.constant 5.000000e-01 : f32
      %mul3A_136 = vector.broadcast %mul3A_135 : f32 to vector<16xf32>
      %mul3A_137 = arith.mulf %mul3A_136, %mul3A_116 : vector<16xf32>
      %mul3A_138 = arith.constant 0.149896234 : f32
      %mul3A_139 = vector.broadcast %mul3A_138 : f32 to vector<16xf32>
      %mul3A_140 = arith.mulf %get3A_78, %mul3A_139 : vector<16xf32>
      %add3A_141 = arith.addf %mul3A_137, %mul3A_140 : vector<16xf32>
      %neg3A = arith.constant 0.000000e+00 : f32
      %neg3A_142 = vector.broadcast %neg3A : f32 to vector<16xf32>
      %neg3A_143 = arith.subf %neg3A_142, %add3A_141 : vector<16xf32>
      %mul3A_144 = arith.constant 0.0277710333 : f32
      %mul3A_145 = vector.broadcast %mul3A_144 : f32 to vector<16xf32>
      %mul3A_146 = arith.mulf %neg3A_143, %mul3A_145 : vector<16xf32>
      %mul3A_147 = arith.constant 2.18669549E-4 : f32
      %mul3A_148 = vector.broadcast %mul3A_147 : f32 to vector<16xf32>
      %mul3A_149 = arith.mulf %mul3A_116, %mul3A_148 : vector<16xf32>
      %mul3A_150 = arith.constant 0.00787401571 : f32
      %mul3A_151 = vector.broadcast %mul3A_150 : f32 to vector<16xf32>
      %mul3A_152 = arith.mulf %mul3A_116, %mul3A_151 : vector<16xf32>
      %broadcast_in_dim3A = arith.constant 0.000000e+00 : f32
      %broadcast_in_dim3A_153 = vector.broadcast %broadcast_in_dim3A : f32 to vector<16xf32>
      %scan3A_154 = arith.constant 0 : i32
      %scan3A_155 = arith.constant 128 : i32
      %scan3A_156 = arith.addi %scan3A_154, %scan3A_155 : i32
      %scan3A_157 = arith.constant 8 : i32
      %scan3A_158:4 = scf.for %scan3A_162 = %scan3A_154 to %scan3A_156 step %scan3A_157 iter_args(%scan3A_163 = %broadcast_in_dim3A_153, %scan3A_164 = %add3A_122, %scan3A_165 = %add3A_131, %scan3A_166 = %mul3A_146) -> (vector<16xf32>, vector<16xf32>, vector<16xf32>, vector<16xf32>)  : i32 {
        %mul3A_167 = arith.mulf %scan3A_166, %scan3A_166 : vector<16xf32>
        %neg3A_168 = arith.constant 0.000000e+00 : f32
        %neg3A_169 = vector.broadcast %neg3A_168 : f32 to vector<16xf32>
        %neg3A_170 = arith.subf %neg3A_169, %mul3A_167 : vector<16xf32>
        %exp3A = math.exp %neg3A_170 : vector<16xf32>
        %convert_element_type3A = arith.fptosi %scan3A_164 : vector<16xf32> to vector<16xi32>
        %convert_element_type3A_171 = arith.fptosi %scan3A_165 : vector<16xf32> to vector<16xi32>
        %convert_element_type3A_172 = arith.sitofp %convert_element_type3A : vector<16xi32> to vector<16xf32>
        %sub3A_173 = arith.subf %scan3A_164, %convert_element_type3A_172 : vector<16xf32>
        %convert_element_type3A_174 = arith.sitofp %convert_element_type3A_171 : vector<16xi32> to vector<16xf32>
        %sub3A_175 = arith.subf %scan3A_165, %convert_element_type3A_174 : vector<16xf32>
        %mul3A_176 = arith.constant 304 : i32
        %mul3A_177 = vector.broadcast %mul3A_176 : i32 to vector<16xi32>
        %mul3A_178 = arith.muli %convert_element_type3A, %mul3A_177 : vector<16xi32>
        %add3A_179 = arith.addi %mul3A_178, %convert_element_type3A_171 : vector<16xi32>
        %gather3A = tpu.vector_load_idx %arg13[%add3A_179] : memref<92416xf32, #tpu.memory_space<vmem>>[vector<16xi32>], vector<16xf32>,
        %add3A_180 = arith.constant 1 : i32
        %add3A_181 = vector.broadcast %add3A_180 : i32 to vector<16xi32>
        %add3A_182 = arith.addi %add3A_179, %add3A_181 : vector<16xi32>
        %gather3A_183 = tpu.vector_load_idx %arg13[%add3A_182] : memref<92416xf32, #tpu.memory_space<vmem>>[vector<16xi32>], vector<16xf32>,
        %add3A_184 = arith.constant 304 : i32
        %add3A_185 = vector.broadcast %add3A_184 : i32 to vector<16xi32>
        %add3A_186 = arith.addi %add3A_179, %add3A_185 : vector<16xi32>
        %gather3A_187 = tpu.vector_load_idx %arg13[%add3A_186] : memref<92416xf32, #tpu.memory_space<vmem>>[vector<16xi32>], vector<16xf32>,
        %add3A_188 = arith.constant 305 : i32
        %add3A_189 = vector.broadcast %add3A_188 : i32 to vector<16xi32>
        %add3A_190 = arith.addi %add3A_179, %add3A_189 : vector<16xi32>
        %gather3A_191 = tpu.vector_load_idx %arg13[%add3A_190] : memref<92416xf32, #tpu.memory_space<vmem>>[vector<16xi32>], vector<16xf32>,
        %sub3A_192 = arith.subf %gather3A_187, %gather3A : vector<16xf32>
        %mul3A_193 = arith.mulf %sub3A_173, %sub3A_192 : vector<16xf32>
        %add3A_194 = arith.addf %gather3A, %mul3A_193 : vector<16xf32>
        %sub3A_195 = arith.subf %gather3A_191, %gather3A_183 : vector<16xf32>
        %mul3A_196 = arith.mulf %sub3A_173, %sub3A_195 : vector<16xf32>
        %add3A_197 = arith.addf %gather3A_183, %mul3A_196 : vector<16xf32>
        %sub3A_198 = arith.subf %add3A_197, %add3A_194 : vector<16xf32>
        %mul3A_199 = arith.mulf %sub3A_175, %sub3A_198 : vector<16xf32>
        %add3A_200 = arith.addf %add3A_194, %mul3A_199 : vector<16xf32>
        %mul3A_201 = arith.mulf %add3A_200, %exp3A : vector<16xf32>
        %add3A_202 = arith.addf %scan3A_163, %mul3A_201 : vector<16xf32>
        %add3A_203 = arith.addf %scan3A_164, %mul3A_125 : vector<16xf32>
        %add3A_204 = arith.addf %scan3A_165, %mul3A_134 : vector<16xf32>
        %add3A_205 = arith.addf %scan3A_166, %mul3A_149 : vector<16xf32>
        %scan3A_206 = arith.constant 1 : i32
        %scan3A_207 = arith.addi %scan3A_162, %scan3A_206 : i32
        %mul3A_208 = arith.mulf %add3A_205, %add3A_205 : vector<16xf32>
        %neg3A_209 = arith.constant 0.000000e+00 : f32
        %neg3A_210 = vector.broadcast %neg3A_209 : f32 to vector<16xf32>
        %neg3A_211 = arith.subf %neg3A_210, %mul3A_208 : vector<16xf32>
        %exp3A_212 = math.exp %neg3A_211 : vector<16xf32>
        %convert_element_type3A_213 = arith.fptosi %add3A_203 : vector<16xf32> to vector<16xi32>
        %convert_element_type3A_214 = arith.fptosi %add3A_204 : vector<16xf32> to vector<16xi32>
        %convert_element_type3A_215 = arith.sitofp %convert_element_type3A_213 : vector<16xi32> to vector<16xf32>
        %sub3A_216 = arith.subf %add3A_203, %convert_element_type3A_215 : vector<16xf32>
        %convert_element_type3A_217 = arith.sitofp %convert_element_type3A_214 : vector<16xi32> to vector<16xf32>
        %sub3A_218 = arith.subf %add3A_204, %convert_element_type3A_217 : vector<16xf32>
        %mul3A_219 = arith.constant 304 : i32
        %mul3A_220 = vector.broadcast %mul3A_219 : i32 to vector<16xi32>
        %mul3A_221 = arith.muli %convert_element_type3A_213, %mul3A_220 : vector<16xi32>
        %add3A_222 = arith.addi %mul3A_221, %convert_element_type3A_214 : vector<16xi32>
        %gather3A_223 = tpu.vector_load_idx %arg13[%add3A_222] : memref<92416xf32, #tpu.memory_space<vmem>>[vector<16xi32>], vector<16xf32>,
        %add3A_224 = arith.constant 1 : i32
        %add3A_225 = vector.broadcast %add3A_224 : i32 to vector<16xi32>
        %add3A_226 = arith.addi %add3A_222, %add3A_225 : vector<16xi32>
        %gather3A_227 = tpu.vector_load_idx %arg13[%add3A_226] : memref<92416xf32, #tpu.memory_space<vmem>>[vector<16xi32>], vector<16xf32>,
        %add3A_228 = arith.constant 304 : i32
        %add3A_229 = vector.broadcast %add3A_228 : i32 to vector<16xi32>
        %add3A_230 = arith.addi %add3A_222, %add3A_229 : vector<16xi32>
        %gather3A_231 = tpu.vector_load_idx %arg13[%add3A_230] : memref<92416xf32, #tpu.memory_space<vmem>>[vector<16xi32>], vector<16xf32>,
        %add3A_232 = arith.constant 305 : i32
        %add3A_233 = vector.broadcast %add3A_232 : i32 to vector<16xi32>
        %add3A_234 = arith.addi %add3A_222, %add3A_233 : vector<16xi32>
        %gather3A_235 = tpu.vector_load_idx %arg13[%add3A_234] : memref<92416xf32, #tpu.memory_space<vmem>>[vector<16xi32>], vector<16xf32>,
        %sub3A_236 = arith.subf %gather3A_231, %gather3A_223 : vector<16xf32>
        %mul3A_237 = arith.mulf %sub3A_216, %sub3A_236 : vector<16xf32>
        %add3A_238 = arith.addf %gather3A_223, %mul3A_237 : vector<16xf32>
        %sub3A_239 = arith.subf %gather3A_235, %gather3A_227 : vector<16xf32>
        %mul3A_240 = arith.mulf %sub3A_216, %sub3A_239 : vector<16xf32>
        %add3A_241 = arith.addf %gather3A_227, %mul3A_240 : vector<16xf32>
        %sub3A_242 = arith.subf %add3A_241, %add3A_238 : vector<16xf32>
        %mul3A_243 = arith.mulf %sub3A_218, %sub3A_242 : vector<16xf32>
        %add3A_244 = arith.addf %add3A_238, %mul3A_243 : vector<16xf32>
        %mul3A_245 = arith.mulf %add3A_244, %exp3A_212 : vector<16xf32>
        %add3A_246 = arith.addf %add3A_202, %mul3A_245 : vector<16xf32>
        %add3A_247 = arith.addf %add3A_203, %mul3A_125 : vector<16xf32>
        %add3A_248 = arith.addf %add3A_204, %mul3A_134 : vector<16xf32>
        %add3A_249 = arith.addf %add3A_205, %mul3A_149 : vector<16xf32>
        %scan3A_250 = arith.constant 2 : i32
        %scan3A_251 = arith.addi %scan3A_162, %scan3A_250 : i32
        %mul3A_252 = arith.mulf %add3A_249, %add3A_249 : vector<16xf32>
        %neg3A_253 = arith.constant 0.000000e+00 : f32
        %neg3A_254 = vector.broadcast %neg3A_253 : f32 to vector<16xf32>
        %neg3A_255 = arith.subf %neg3A_254, %mul3A_252 : vector<16xf32>
        %exp3A_256 = math.exp %neg3A_255 : vector<16xf32>
        %convert_element_type3A_257 = arith.fptosi %add3A_247 : vector<16xf32> to vector<16xi32>
        %convert_element_type3A_258 = arith.fptosi %add3A_248 : vector<16xf32> to vector<16xi32>
        %convert_element_type3A_259 = arith.sitofp %convert_element_type3A_257 : vector<16xi32> to vector<16xf32>
        %sub3A_260 = arith.subf %add3A_247, %convert_element_type3A_259 : vector<16xf32>
        %convert_element_type3A_261 = arith.sitofp %convert_element_type3A_258 : vector<16xi32> to vector<16xf32>
        %sub3A_262 = arith.subf %add3A_248, %convert_element_type3A_261 : vector<16xf32>
        %mul3A_263 = arith.constant 304 : i32
        %mul3A_264 = vector.broadcast %mul3A_263 : i32 to vector<16xi32>
        %mul3A_265 = arith.muli %convert_element_type3A_257, %mul3A_264 : vector<16xi32>
        %add3A_266 = arith.addi %mul3A_265, %convert_element_type3A_258 : vector<16xi32>
        %gather3A_267 = tpu.vector_load_idx %arg13[%add3A_266] : memref<92416xf32, #tpu.memory_space<vmem>>[vector<16xi32>], vector<16xf32>,
        %add3A_268 = arith.constant 1 : i32
        %add3A_269 = vector.broadcast %add3A_268 : i32 to vector<16xi32>
        %add3A_270 = arith.addi %add3A_266, %add3A_269 : vector<16xi32>
        %gather3A_271 = tpu.vector_load_idx %arg13[%add3A_270] : memref<92416xf32, #tpu.memory_space<vmem>>[vector<16xi32>], vector<16xf32>,
        %add3A_272 = arith.constant 304 : i32
        %add3A_273 = vector.broadcast %add3A_272 : i32 to vector<16xi32>
        %add3A_274 = arith.addi %add3A_266, %add3A_273 : vector<16xi32>
        %gather3A_275 = tpu.vector_load_idx %arg13[%add3A_274] : memref<92416xf32, #tpu.memory_space<vmem>>[vector<16xi32>], vector<16xf32>,
        %add3A_276 = arith.constant 305 : i32
        %add3A_277 = vector.broadcast %add3A_276 : i32 to vector<16xi32>
        %add3A_278 = arith.addi %add3A_266, %add3A_277 : vector<16xi32>
        %gather3A_279 = tpu.vector_load_idx %arg13[%add3A_278] : memref<92416xf32, #tpu.memory_space<vmem>>[vector<16xi32>], vector<16xf32>,
        %sub3A_280 = arith.subf %gather3A_275, %gather3A_267 : vector<16xf32>
        %mul3A_281 = arith.mulf %sub3A_260, %sub3A_280 : vector<16xf32>
        %add3A_282 = arith.addf %gather3A_267, %mul3A_281 : vector<16xf32>
        %sub3A_283 = arith.subf %gather3A_279, %gather3A_271 : vector<16xf32>
        %mul3A_284 = arith.mulf %sub3A_260, %sub3A_283 : vector<16xf32>
        %add3A_285 = arith.addf %gather3A_271, %mul3A_284 : vector<16xf32>
        %sub3A_286 = arith.subf %add3A_285, %add3A_282 : vector<16xf32>
        %mul3A_287 = arith.mulf %sub3A_262, %sub3A_286 : vector<16xf32>
        %add3A_288 = arith.addf %add3A_282, %mul3A_287 : vector<16xf32>
        %mul3A_289 = arith.mulf %add3A_288, %exp3A_256 : vector<16xf32>
        %add3A_290 = arith.addf %add3A_246, %mul3A_289 : vector<16xf32>
        %add3A_291 = arith.addf %add3A_247, %mul3A_125 : vector<16xf32>
        %add3A_292 = arith.addf %add3A_248, %mul3A_134 : vector<16xf32>
        %add3A_293 = arith.addf %add3A_249, %mul3A_149 : vector<16xf32>
        %scan3A_294 = arith.constant 3 : i32
        %scan3A_295 = arith.addi %scan3A_162, %scan3A_294 : i32
        %mul3A_296 = arith.mulf %add3A_293, %add3A_293 : vector<16xf32>
        %neg3A_297 = arith.constant 0.000000e+00 : f32
        %neg3A_298 = vector.broadcast %neg3A_297 : f32 to vector<16xf32>
        %neg3A_299 = arith.subf %neg3A_298, %mul3A_296 : vector<16xf32>
        %exp3A_300 = math.exp %neg3A_299 : vector<16xf32>
        %convert_element_type3A_301 = arith.fptosi %add3A_291 : vector<16xf32> to vector<16xi32>
        %convert_element_type3A_302 = arith.fptosi %add3A_292 : vector<16xf32> to vector<16xi32>
        %convert_element_type3A_303 = arith.sitofp %convert_element_type3A_301 : vector<16xi32> to vector<16xf32>
        %sub3A_304 = arith.subf %add3A_291, %convert_element_type3A_303 : vector<16xf32>
        %convert_element_type3A_305 = arith.sitofp %convert_element_type3A_302 : vector<16xi32> to vector<16xf32>
        %sub3A_306 = arith.subf %add3A_292, %convert_element_type3A_305 : vector<16xf32>
        %mul3A_307 = arith.constant 304 : i32
        %mul3A_308 = vector.broadcast %mul3A_307 : i32 to vector<16xi32>
        %mul3A_309 = arith.muli %convert_element_type3A_301, %mul3A_308 : vector<16xi32>
        %add3A_310 = arith.addi %mul3A_309, %convert_element_type3A_302 : vector<16xi32>
        %gather3A_311 = tpu.vector_load_idx %arg13[%add3A_310] : memref<92416xf32, #tpu.memory_space<vmem>>[vector<16xi32>], vector<16xf32>,
        %add3A_312 = arith.constant 1 : i32
        %add3A_313 = vector.broadcast %add3A_312 : i32 to vector<16xi32>
        %add3A_314 = arith.addi %add3A_310, %add3A_313 : vector<16xi32>
        %gather3A_315 = tpu.vector_load_idx %arg13[%add3A_314] : memref<92416xf32, #tpu.memory_space<vmem>>[vector<16xi32>], vector<16xf32>,
        %add3A_316 = arith.constant 304 : i32
        %add3A_317 = vector.broadcast %add3A_316 : i32 to vector<16xi32>
        %add3A_318 = arith.addi %add3A_310, %add3A_317 : vector<16xi32>
        %gather3A_319 = tpu.vector_load_idx %arg13[%add3A_318] : memref<92416xf32, #tpu.memory_space<vmem>>[vector<16xi32>], vector<16xf32>,
        %add3A_320 = arith.constant 305 : i32
        %add3A_321 = vector.broadcast %add3A_320 : i32 to vector<16xi32>
        %add3A_322 = arith.addi %add3A_310, %add3A_321 : vector<16xi32>
        %gather3A_323 = tpu.vector_load_idx %arg13[%add3A_322] : memref<92416xf32, #tpu.memory_space<vmem>>[vector<16xi32>], vector<16xf32>,
        %sub3A_324 = arith.subf %gather3A_319, %gather3A_311 : vector<16xf32>
        %mul3A_325 = arith.mulf %sub3A_304, %sub3A_324 : vector<16xf32>
        %add3A_326 = arith.addf %gather3A_311, %mul3A_325 : vector<16xf32>
        %sub3A_327 = arith.subf %gather3A_323, %gather3A_315 : vector<16xf32>
        %mul3A_328 = arith.mulf %sub3A_304, %sub3A_327 : vector<16xf32>
        %add3A_329 = arith.addf %gather3A_315, %mul3A_328 : vector<16xf32>
        %sub3A_330 = arith.subf %add3A_329, %add3A_326 : vector<16xf32>
        %mul3A_331 = arith.mulf %sub3A_306, %sub3A_330 : vector<16xf32>
        %add3A_332 = arith.addf %add3A_326, %mul3A_331 : vector<16xf32>
        %mul3A_333 = arith.mulf %add3A_332, %exp3A_300 : vector<16xf32>
        %add3A_334 = arith.addf %add3A_290, %mul3A_333 : vector<16xf32>
        %add3A_335 = arith.addf %add3A_291, %mul3A_125 : vector<16xf32>
        %add3A_336 = arith.addf %add3A_292, %mul3A_134 : vector<16xf32>
        %add3A_337 = arith.addf %add3A_293, %mul3A_149 : vector<16xf32>
        %scan3A_338 = arith.constant 4 : i32
        %scan3A_339 = arith.addi %scan3A_162, %scan3A_338 : i32
        %mul3A_340 = arith.mulf %add3A_337, %add3A_337 : vector<16xf32>
        %neg3A_341 = arith.constant 0.000000e+00 : f32
        %neg3A_342 = vector.broadcast %neg3A_341 : f32 to vector<16xf32>
        %neg3A_343 = arith.subf %neg3A_342, %mul3A_340 : vector<16xf32>
        %exp3A_344 = math.exp %neg3A_343 : vector<16xf32>
        %convert_element_type3A_345 = arith.fptosi %add3A_335 : vector<16xf32> to vector<16xi32>
        %convert_element_type3A_346 = arith.fptosi %add3A_336 : vector<16xf32> to vector<16xi32>
        %convert_element_type3A_347 = arith.sitofp %convert_element_type3A_345 : vector<16xi32> to vector<16xf32>
        %sub3A_348 = arith.subf %add3A_335, %convert_element_type3A_347 : vector<16xf32>
        %convert_element_type3A_349 = arith.sitofp %convert_element_type3A_346 : vector<16xi32> to vector<16xf32>
        %sub3A_350 = arith.subf %add3A_336, %convert_element_type3A_349 : vector<16xf32>
        %mul3A_351 = arith.constant 304 : i32
        %mul3A_352 = vector.broadcast %mul3A_351 : i32 to vector<16xi32>
        %mul3A_353 = arith.muli %convert_element_type3A_345, %mul3A_352 : vector<16xi32>
        %add3A_354 = arith.addi %mul3A_353, %convert_element_type3A_346 : vector<16xi32>
        %gather3A_355 = tpu.vector_load_idx %arg13[%add3A_354] : memref<92416xf32, #tpu.memory_space<vmem>>[vector<16xi32>], vector<16xf32>,
        %add3A_356 = arith.constant 1 : i32
        %add3A_357 = vector.broadcast %add3A_356 : i32 to vector<16xi32>
        %add3A_358 = arith.addi %add3A_354, %add3A_357 : vector<16xi32>
        %gather3A_359 = tpu.vector_load_idx %arg13[%add3A_358] : memref<92416xf32, #tpu.memory_space<vmem>>[vector<16xi32>], vector<16xf32>,
        %add3A_360 = arith.constant 304 : i32
        %add3A_361 = vector.broadcast %add3A_360 : i32 to vector<16xi32>
        %add3A_362 = arith.addi %add3A_354, %add3A_361 : vector<16xi32>
        %gather3A_363 = tpu.vector_load_idx %arg13[%add3A_362] : memref<92416xf32, #tpu.memory_space<vmem>>[vector<16xi32>], vector<16xf32>,
        %add3A_364 = arith.constant 305 : i32
        %add3A_365 = vector.broadcast %add3A_364 : i32 to vector<16xi32>
        %add3A_366 = arith.addi %add3A_354, %add3A_365 : vector<16xi32>
        %gather3A_367 = tpu.vector_load_idx %arg13[%add3A_366] : memref<92416xf32, #tpu.memory_space<vmem>>[vector<16xi32>], vector<16xf32>,
        %sub3A_368 = arith.subf %gather3A_363, %gather3A_355 : vector<16xf32>
        %mul3A_369 = arith.mulf %sub3A_348, %sub3A_368 : vector<16xf32>
        %add3A_370 = arith.addf %gather3A_355, %mul3A_369 : vector<16xf32>
        %sub3A_371 = arith.subf %gather3A_367, %gather3A_359 : vector<16xf32>
        %mul3A_372 = arith.mulf %sub3A_348, %sub3A_371 : vector<16xf32>
        %add3A_373 = arith.addf %gather3A_359, %mul3A_372 : vector<16xf32>
        %sub3A_374 = arith.subf %add3A_373, %add3A_370 : vector<16xf32>
        %mul3A_375 = arith.mulf %sub3A_350, %sub3A_374 : vector<16xf32>
        %add3A_376 = arith.addf %add3A_370, %mul3A_375 : vector<16xf32>
        %mul3A_377 = arith.mulf %add3A_376, %exp3A_344 : vector<16xf32>
        %add3A_378 = arith.addf %add3A_334, %mul3A_377 : vector<16xf32>
        %add3A_379 = arith.addf %add3A_335, %mul3A_125 : vector<16xf32>
        %add3A_380 = arith.addf %add3A_336, %mul3A_134 : vector<16xf32>
        %add3A_381 = arith.addf %add3A_337, %mul3A_149 : vector<16xf32>
        %scan3A_382 = arith.constant 5 : i32
        %scan3A_383 = arith.addi %scan3A_162, %scan3A_382 : i32
        %mul3A_384 = arith.mulf %add3A_381, %add3A_381 : vector<16xf32>
        %neg3A_385 = arith.constant 0.000000e+00 : f32
        %neg3A_386 = vector.broadcast %neg3A_385 : f32 to vector<16xf32>
        %neg3A_387 = arith.subf %neg3A_386, %mul3A_384 : vector<16xf32>
        %exp3A_388 = math.exp %neg3A_387 : vector<16xf32>
        %convert_element_type3A_389 = arith.fptosi %add3A_379 : vector<16xf32> to vector<16xi32>
        %convert_element_type3A_390 = arith.fptosi %add3A_380 : vector<16xf32> to vector<16xi32>
        %convert_element_type3A_391 = arith.sitofp %convert_element_type3A_389 : vector<16xi32> to vector<16xf32>
        %sub3A_392 = arith.subf %add3A_379, %convert_element_type3A_391 : vector<16xf32>
        %convert_element_type3A_393 = arith.sitofp %convert_element_type3A_390 : vector<16xi32> to vector<16xf32>
        %sub3A_394 = arith.subf %add3A_380, %convert_element_type3A_393 : vector<16xf32>
        %mul3A_395 = arith.constant 304 : i32
        %mul3A_396 = vector.broadcast %mul3A_395 : i32 to vector<16xi32>
        %mul3A_397 = arith.muli %convert_element_type3A_389, %mul3A_396 : vector<16xi32>
        %add3A_398 = arith.addi %mul3A_397, %convert_element_type3A_390 : vector<16xi32>
        %gather3A_399 = tpu.vector_load_idx %arg13[%add3A_398] : memref<92416xf32, #tpu.memory_space<vmem>>[vector<16xi32>], vector<16xf32>,
        %add3A_400 = arith.constant 1 : i32
        %add3A_401 = vector.broadcast %add3A_400 : i32 to vector<16xi32>
        %add3A_402 = arith.addi %add3A_398, %add3A_401 : vector<16xi32>
        %gather3A_403 = tpu.vector_load_idx %arg13[%add3A_402] : memref<92416xf32, #tpu.memory_space<vmem>>[vector<16xi32>], vector<16xf32>,
        %add3A_404 = arith.constant 304 : i32
        %add3A_405 = vector.broadcast %add3A_404 : i32 to vector<16xi32>
        %add3A_406 = arith.addi %add3A_398, %add3A_405 : vector<16xi32>
        %gather3A_407 = tpu.vector_load_idx %arg13[%add3A_406] : memref<92416xf32, #tpu.memory_space<vmem>>[vector<16xi32>], vector<16xf32>,
        %add3A_408 = arith.constant 305 : i32
        %add3A_409 = vector.broadcast %add3A_408 : i32 to vector<16xi32>
        %add3A_410 = arith.addi %add3A_398, %add3A_409 : vector<16xi32>
        %gather3A_411 = tpu.vector_load_idx %arg13[%add3A_410] : memref<92416xf32, #tpu.memory_space<vmem>>[vector<16xi32>], vector<16xf32>,
        %sub3A_412 = arith.subf %gather3A_407, %gather3A_399 : vector<16xf32>
        %mul3A_413 = arith.mulf %sub3A_392, %sub3A_412 : vector<16xf32>
        %add3A_414 = arith.addf %gather3A_399, %mul3A_413 : vector<16xf32>
        %sub3A_415 = arith.subf %gather3A_411, %gather3A_403 : vector<16xf32>
        %mul3A_416 = arith.mulf %sub3A_392, %sub3A_415 : vector<16xf32>
        %add3A_417 = arith.addf %gather3A_403, %mul3A_416 : vector<16xf32>
        %sub3A_418 = arith.subf %add3A_417, %add3A_414 : vector<16xf32>
        %mul3A_419 = arith.mulf %sub3A_394, %sub3A_418 : vector<16xf32>
        %add3A_420 = arith.addf %add3A_414, %mul3A_419 : vector<16xf32>
        %mul3A_421 = arith.mulf %add3A_420, %exp3A_388 : vector<16xf32>
        %add3A_422 = arith.addf %add3A_378, %mul3A_421 : vector<16xf32>
        %add3A_423 = arith.addf %add3A_379, %mul3A_125 : vector<16xf32>
        %add3A_424 = arith.addf %add3A_380, %mul3A_134 : vector<16xf32>
        %add3A_425 = arith.addf %add3A_381, %mul3A_149 : vector<16xf32>
        %scan3A_426 = arith.constant 6 : i32
        %scan3A_427 = arith.addi %scan3A_162, %scan3A_426 : i32
        %mul3A_428 = arith.mulf %add3A_425, %add3A_425 : vector<16xf32>
        %neg3A_429 = arith.constant 0.000000e+00 : f32
        %neg3A_430 = vector.broadcast %neg3A_429 : f32 to vector<16xf32>
        %neg3A_431 = arith.subf %neg3A_430, %mul3A_428 : vector<16xf32>
        %exp3A_432 = math.exp %neg3A_431 : vector<16xf32>
        %convert_element_type3A_433 = arith.fptosi %add3A_423 : vector<16xf32> to vector<16xi32>
        %convert_element_type3A_434 = arith.fptosi %add3A_424 : vector<16xf32> to vector<16xi32>
        %convert_element_type3A_435 = arith.sitofp %convert_element_type3A_433 : vector<16xi32> to vector<16xf32>
        %sub3A_436 = arith.subf %add3A_423, %convert_element_type3A_435 : vector<16xf32>
        %convert_element_type3A_437 = arith.sitofp %convert_element_type3A_434 : vector<16xi32> to vector<16xf32>
        %sub3A_438 = arith.subf %add3A_424, %convert_element_type3A_437 : vector<16xf32>
        %mul3A_439 = arith.constant 304 : i32
        %mul3A_440 = vector.broadcast %mul3A_439 : i32 to vector<16xi32>
        %mul3A_441 = arith.muli %convert_element_type3A_433, %mul3A_440 : vector<16xi32>
        %add3A_442 = arith.addi %mul3A_441, %convert_element_type3A_434 : vector<16xi32>
        %gather3A_443 = tpu.vector_load_idx %arg13[%add3A_442] : memref<92416xf32, #tpu.memory_space<vmem>>[vector<16xi32>], vector<16xf32>,
        %add3A_444 = arith.constant 1 : i32
        %add3A_445 = vector.broadcast %add3A_444 : i32 to vector<16xi32>
        %add3A_446 = arith.addi %add3A_442, %add3A_445 : vector<16xi32>
        %gather3A_447 = tpu.vector_load_idx %arg13[%add3A_446] : memref<92416xf32, #tpu.memory_space<vmem>>[vector<16xi32>], vector<16xf32>,
        %add3A_448 = arith.constant 304 : i32
        %add3A_449 = vector.broadcast %add3A_448 : i32 to vector<16xi32>
        %add3A_450 = arith.addi %add3A_442, %add3A_449 : vector<16xi32>
        %gather3A_451 = tpu.vector_load_idx %arg13[%add3A_450] : memref<92416xf32, #tpu.memory_space<vmem>>[vector<16xi32>], vector<16xf32>,
        %add3A_452 = arith.constant 305 : i32
        %add3A_453 = vector.broadcast %add3A_452 : i32 to vector<16xi32>
        %add3A_454 = arith.addi %add3A_442, %add3A_453 : vector<16xi32>
        %gather3A_455 = tpu.vector_load_idx %arg13[%add3A_454] : memref<92416xf32, #tpu.memory_space<vmem>>[vector<16xi32>], vector<16xf32>,
        %sub3A_456 = arith.subf %gather3A_451, %gather3A_443 : vector<16xf32>
        %mul3A_457 = arith.mulf %sub3A_436, %sub3A_456 : vector<16xf32>
        %add3A_458 = arith.addf %gather3A_443, %mul3A_457 : vector<16xf32>
        %sub3A_459 = arith.subf %gather3A_455, %gather3A_447 : vector<16xf32>
        %mul3A_460 = arith.mulf %sub3A_436, %sub3A_459 : vector<16xf32>
        %add3A_461 = arith.addf %gather3A_447, %mul3A_460 : vector<16xf32>
        %sub3A_462 = arith.subf %add3A_461, %add3A_458 : vector<16xf32>
        %mul3A_463 = arith.mulf %sub3A_438, %sub3A_462 : vector<16xf32>
        %add3A_464 = arith.addf %add3A_458, %mul3A_463 : vector<16xf32>
        %mul3A_465 = arith.mulf %add3A_464, %exp3A_432 : vector<16xf32>
        %add3A_466 = arith.addf %add3A_422, %mul3A_465 : vector<16xf32>
        %add3A_467 = arith.addf %add3A_423, %mul3A_125 : vector<16xf32>
        %add3A_468 = arith.addf %add3A_424, %mul3A_134 : vector<16xf32>
        %add3A_469 = arith.addf %add3A_425, %mul3A_149 : vector<16xf32>
        %scan3A_470 = arith.constant 7 : i32
        %scan3A_471 = arith.addi %scan3A_162, %scan3A_470 : i32
        %mul3A_472 = arith.mulf %add3A_469, %add3A_469 : vector<16xf32>
        %neg3A_473 = arith.constant 0.000000e+00 : f32
        %neg3A_474 = vector.broadcast %neg3A_473 : f32 to vector<16xf32>
        %neg3A_475 = arith.subf %neg3A_474, %mul3A_472 : vector<16xf32>
        %exp3A_476 = math.exp %neg3A_475 : vector<16xf32>
        %convert_element_type3A_477 = arith.fptosi %add3A_467 : vector<16xf32> to vector<16xi32>
        %convert_element_type3A_478 = arith.fptosi %add3A_468 : vector<16xf32> to vector<16xi32>
        %convert_element_type3A_479 = arith.sitofp %convert_element_type3A_477 : vector<16xi32> to vector<16xf32>
        %sub3A_480 = arith.subf %add3A_467, %convert_element_type3A_479 : vector<16xf32>
        %convert_element_type3A_481 = arith.sitofp %convert_element_type3A_478 : vector<16xi32> to vector<16xf32>
        %sub3A_482 = arith.subf %add3A_468, %convert_element_type3A_481 : vector<16xf32>
        %mul3A_483 = arith.constant 304 : i32
        %mul3A_484 = vector.broadcast %mul3A_483 : i32 to vector<16xi32>
        %mul3A_485 = arith.muli %convert_element_type3A_477, %mul3A_484 : vector<16xi32>
        %add3A_486 = arith.addi %mul3A_485, %convert_element_type3A_478 : vector<16xi32>
        %gather3A_487 = tpu.vector_load_idx %arg13[%add3A_486] : memref<92416xf32, #tpu.memory_space<vmem>>[vector<16xi32>], vector<16xf32>,
        %add3A_488 = arith.constant 1 : i32
        %add3A_489 = vector.broadcast %add3A_488 : i32 to vector<16xi32>
        %add3A_490 = arith.addi %add3A_486, %add3A_489 : vector<16xi32>
        %gather3A_491 = tpu.vector_load_idx %arg13[%add3A_490] : memref<92416xf32, #tpu.memory_space<vmem>>[vector<16xi32>], vector<16xf32>,
        %add3A_492 = arith.constant 304 : i32
        %add3A_493 = vector.broadcast %add3A_492 : i32 to vector<16xi32>
        %add3A_494 = arith.addi %add3A_486, %add3A_493 : vector<16xi32>
        %gather3A_495 = tpu.vector_load_idx %arg13[%add3A_494] : memref<92416xf32, #tpu.memory_space<vmem>>[vector<16xi32>], vector<16xf32>,
        %add3A_496 = arith.constant 305 : i32
        %add3A_497 = vector.broadcast %add3A_496 : i32 to vector<16xi32>
        %add3A_498 = arith.addi %add3A_486, %add3A_497 : vector<16xi32>
        %gather3A_499 = tpu.vector_load_idx %arg13[%add3A_498] : memref<92416xf32, #tpu.memory_space<vmem>>[vector<16xi32>], vector<16xf32>,
        %sub3A_500 = arith.subf %gather3A_495, %gather3A_487 : vector<16xf32>
        %mul3A_501 = arith.mulf %sub3A_480, %sub3A_500 : vector<16xf32>
        %add3A_502 = arith.addf %gather3A_487, %mul3A_501 : vector<16xf32>
        %sub3A_503 = arith.subf %gather3A_499, %gather3A_491 : vector<16xf32>
        %mul3A_504 = arith.mulf %sub3A_480, %sub3A_503 : vector<16xf32>
        %add3A_505 = arith.addf %gather3A_491, %mul3A_504 : vector<16xf32>
        %sub3A_506 = arith.subf %add3A_505, %add3A_502 : vector<16xf32>
        %mul3A_507 = arith.mulf %sub3A_482, %sub3A_506 : vector<16xf32>
        %add3A_508 = arith.addf %add3A_502, %mul3A_507 : vector<16xf32>
        %mul3A_509 = arith.mulf %add3A_508, %exp3A_476 : vector<16xf32>
        %add3A_510 = arith.addf %add3A_466, %mul3A_509 : vector<16xf32>
        %add3A_511 = arith.addf %add3A_467, %mul3A_125 : vector<16xf32>
        %add3A_512 = arith.addf %add3A_468, %mul3A_134 : vector<16xf32>
        %add3A_513 = arith.addf %add3A_469, %mul3A_149 : vector<16xf32>
        scf.yield %add3A_510, %add3A_511, %add3A_512, %add3A_513 : vector<16xf32>, vector<16xf32>, vector<16xf32>, vector<16xf32>
      }
      %scan3A_159 = arith.constant 128 : i32
      %mul3A_160 = arith.mulf %scan3A_158#0, %mul3A_152 : vector<16xf32>
      %swap3A = arith.index_cast %mul3A_45 : i32 to index
      %swap3A_161 = tpu.vector_load %arg23[%swap3A] {strides = array<i32>} : memref<3136xf32, #tpu.memory_space<vmem>>, vector<16xf32>,
      tpu.vector_store %arg23[%swap3A], %mul3A_160 {strides = array<i32>} : memref<3136xf32, #tpu.memory_space<vmem>>, vector<16xf32>,
    }
    %scan3A_42 = arith.constant 196 : i32
    "tpu.region"() ({
      %run_scoped3A = tpu.sem_alloc : memref<!tpu.dma_semaphore, #tpu.memory_space<semaphore_mem>>
      %dma_start3A_43 = tpu.memref_slice %arg12[%min3A_3] : memref<100000xf32, #tpu.memory_space<hbm>> -> memref<3136xf32, #tpu.memory_space<hbm>>
      %dma_start3A_44 = tpu.memref_slice %arg12[%min3A_3] : memref<100000xf32, #tpu.memory_space<hbm>> -> memref<3136xf32, #tpu.memory_space<hbm>>
      tpu.enqueue_dma source(%arg23 : memref<3136xf32, #tpu.memory_space<vmem>>) target(%dma_start3A_44 : memref<3136xf32, #tpu.memory_space<hbm>>) target_semaphore(%run_scoped3A : memref<!tpu.dma_semaphore, #tpu.memory_space<semaphore_mem>>)
      %dma_wait3A_45 = tpu.memref_slice %arg12[%min3A_3] : memref<100000xf32, #tpu.memory_space<hbm>> -> memref<3136xf32, #tpu.memory_space<hbm>>
      %dma_wait3A_46 = tpu.memref_slice %arg12[%min3A_3] : memref<100000xf32, #tpu.memory_space<hbm>> -> memref<3136xf32, #tpu.memory_space<hbm>>
      tpu.wait_dma2 semaphore(%run_scoped3A : memref<!tpu.dma_semaphore, #tpu.memory_space<semaphore_mem>>) src(%arg23 : memref<3136xf32, #tpu.memory_space<vmem>>) dst(%dma_wait3A_46 : memref<3136xf32, #tpu.memory_space<hbm>>)
      tpu.yield
    }) : () -> ()
    return
  }
}

</mosaic_0001>

<sc_bundles>
// kernel: kernel.3.cloned.1.call-start
scs
__scs_entry_jumppad:
0x0: {  	(pc) =	sbr.rel $0x88, $3  }
0x1: {  	(tag) =	ssettag $0x0;
	lr =	simm.s32 $0x1  }
0x2: {  	[smem:$0x3F97] =	sst lr;
	_ =	strace $0xD0000000  }
0x3: {  	_ = 	snop  }
0x4: {  	_ = 	snop  }
0x5: {  	_ = 	snop  }
0x6: {  	_ = 	snop  }
0x7: {  	_ = 	snop  }
__scs_overlays_trampoline_lowered:
0x8: {  	[smem:$0x3FA6] =	sst s0  }
0x9: {  	[smem:$0x3FA7] =	sst s1  }
0xa: {  	[smem:$0x3FA8] =	sst s2  }
0xb: {  	[smem:$0x3FA9] =	sst s3  }
0xc: {  	[smem:$0x3FAA] =	sst s4  }
0xd: {  	[smem:$0x3FAB] =	sst s5  }
0xe: {  	[smem:$0x3FAC] =	sst s6  }
0xf: {  	[smem:$0x3FAD] =	sst s7  }
0x10: {  	[smem:$0x3FAE] =	sst s8  }
0x11: {  	[smem:$0x3FAF] =	sst s9;
	s0 =	simm.s32 @!p0 $0x0  }
0x12: {  	s1 =	sld [smem:$0x3F95];
	s0 =	simm.s32 @p0 $0x1  }
0x13: {  	[smem:$0x3FB0] =	sst s0;
	s0 =	simm.s32 @!p1 $0x0  }
0x14: {  	s2 =	sld [smem:$0x3F94];
	s0 =	simm.s32 @p1 $0x1  }
0x15: {  	[smem:$0x3FB1] =	sst s0;
	s0 =	simm.s32 @!p2 $0x0  }
0x16: {  	s3 =	sld [smem:$0x3FDB];
	s0 =	simm.s32 @p2 $0x1  }
0x17: {  	s4 =	simm.s32 $0x1BF5;
	[smem:$0x3FB3] =	sst s0  }
0x18: {  	s0 =	sld [smem:$0x3F96];
	_ =	swait.ge [sflag:s4], $0x0  }
0x19: {  	s7 =	sld [smem:$0x3F97]  }
0x1a: {  	s8 =	sadd.s32 $0xFFFFE003, lr  }
0x1b: {  	s9 =	sadd.s32 $0xFFFFFEF7, lr;
	s5 =	simm.s32 $0xFFFFFFFF;
	p2 =	slt.u32 s8, $0xFFFFF086  }
0x1c: {  	p1 =	slt.u32 s9, $0xF7A;
	s5 =	simm.s32 @!p2 $0x0  }
0x1d: {  	s5 =	simm.s32 @p1 $0x1;
	p0 =	seq.s32 s7, s2  }
0x1e: {  	s7 =	smul.u32 @!p0 $0xF7A, s2;
	p2 =	seq.s32 @!p0 s5, $0x0  }
0x1f: {  	s9 =	smul.u32 $0xF7A, s1;
	s8 =	simm.s32 @!p0 $0x1BF5;
	p2 =	por !p2, p0  }
0x20: {  	[sflag:s8] =	ssyncset.s32 @!p0 $0xFFFFF086;
	s6 =	sadd.s32 @!p0 s3, s7;
	s7 =	simm.s32 @!p0 $0x108  }
0x21: {  	s3 =	sadd.s32 s3, s9;
	s6 =	sadd.s32 @!p0 $0x88, s6;
	s7 =	simm.s32 @p2 $0x1082  }
0x22: {  	[simem:s7], [sflag:s8] =	dma.local @!p0 [hbm:s6], $0xF7A  }
0x23: {  	s9 =	sor.u32 $0xD0000000, s2;
	s6 =	simm.s32 $0x108;
	_ =	swait.ge @!p0 [sflag:s8], $0x0  }
0x24: {  	s3 =	sadd.s32 $0x88, s3;
	s6 =	simm.s32 @!p1 $0x1082;
	[sflag:s4] =	ssyncset.s32 $0xFFFFF086  }
0x25: {  	[simem:s6], [sflag:s4] =	dma.local [hbm:s3], $0xF7A  }
0x26: {  	[smem:$0x3F97] =	sst s1;
	(tag) =	ssettag s2;
	_ =	strace s9  }
0x27: {  	s1 =	sld [smem:$0x3FA7]  }
0x28: {  	s2 =	sld [smem:$0x3FA8]  }
0x29: {  	s4 =	sld [smem:$0x3FAA]  }
0x2a: {  	p0 =	seq.s32 s5, $0x0;
	s5 =	sld [smem:$0x3FAB]  }
0x2b: {  	s6 =	sld [smem:$0x3FAC]  }
0x2c: {  	s7 =	sld [smem:$0x3FAD]  }
0x2d: {  	s3 =	simm.s32 $0x108;
	s8 =	sld [smem:$0x3FAE]  }
0x2e: {  	s3 =	simm.s32 @!p0 $0x1082;
	s9 =	sld [smem:$0x3FAF]  }
0x2f: {  	lr =	sadd.s32 s0, s3;
	s0 =	sld [smem:$0x3FA6]  }
0x30: {  	s3 =	sld [smem:$0x3FA9]  }
0x31: {  	[smem:$0x3FB2] =	sst s10  }
0x32: {  	s10 =	sld [smem:$0x3FB0];
	_ =	sdelay $0x3  }
0x33: {  	p0 =	seq.s32 s10, $0x1;
	s10 =	sld [smem:$0x3FB2];
	_ =	sdelay $0x3  }
0x34: {  	[smem:$0x3FB2] =	sst s10  }
0x35: {  	s10 =	sld [smem:$0x3FB1];
	_ =	sdelay $0x3  }
0x36: {  	p1 =	seq.s32 s10, $0x1;
	s10 =	sld [smem:$0x3FB2];
	_ =	sdelay $0x3  }
0x37: {  	[smem:$0x3FB2] =	sst s10  }
0x38: {  	s10 =	sld [smem:$0x3FB3]  }
0x39: {  	_ = 	snop;
	(pc) =	sbr.ind lr, $3  }
0x3a: {  	_ = 	snop  }
0x3b: {  	_ = 	snop  }
0x3c: {  	p2 =	seq.s32 s10, $0x1;
	s10 =	sld [smem:$0x3FB2]  }
0x3d: {  	_ =	shalt  }
0x3e: {  	_ =	shalt  }
0x3f: {  	_ =	shalt  }
0x40: {  	_ =	shalt  }
0x41: {  	_ =	shalt  }
0x42: {  	_ =	shalt  }
0x43: {  	_ =	shalt  }
0x44: {  	_ =	shalt  }
0x45: {  	_ =	shalt  }
0x46: {  	_ =	shalt  }
0x47: {  	_ =	shalt  }
0x48: {  	_ =	shalt  }
0x49: {  	_ =	shalt  }
0x4a: {  	_ =	shalt  }
0x4b: {  	_ =	shalt  }
0x4c: {  	_ =	shalt  }
0x4d: {  	_ =	shalt  }
0x4e: {  	_ =	shalt  }
0x4f: {  	_ =	shalt  }
0x50: {  	_ =	shalt  }
0x51: {  	_ =	shalt  }
0x52: {  	_ =	shalt  }
0x53: {  	_ =	shalt  }
0x54: {  	_ =	shalt  }
0x55: {  	_ =	shalt  }
0x56: {  	_ =	shalt  }
0x57: {  	_ =	shalt  }
0x58: {  	_ =	shalt  }
0x59: {  	_ =	shalt  }
0x5a: {  	_ =	shalt  }
0x5b: {  	_ =	shalt  }
0x5c: {  	_ =	shalt  }
0x5d: {  	_ =	shalt  }
0x5e: {  	_ =	shalt  }
0x5f: {  	_ =	shalt  }
0x60: {  	_ =	shalt  }
0x61: {  	_ =	shalt  }
0x62: {  	_ =	shalt  }
0x63: {  	_ =	shalt  }
0x64: {  	_ =	shalt  }
0x65: {  	_ =	shalt  }
0x66: {  	_ =	shalt  }
0x67: {  	_ =	shalt  }
0x68: {  	_ =	shalt  }
0x69: {  	_ =	shalt  }
0x6a: {  	_ =	shalt  }
0x6b: {  	_ =	shalt  }
0x6c: {  	_ =	shalt  }
0x6d: {  	_ =	shalt  }
0x6e: {  	_ =	shalt  }
0x6f: {  	_ =	shalt  }
0x70: {  	_ =	shalt  }
0x71: {  	_ =	shalt  }
0x72: {  	_ =	shalt  }
0x73: {  	_ =	shalt  }
0x74: {  	_ =	shalt  }
0x75: {  	_ =	shalt  }
0x76: {  	_ =	shalt  }
0x77: {  	_ =	shalt  }
0x78: {  	_ =	shalt  }
0x79: {  	_ =	shalt  }
0x7a: {  	_ =	shalt  }
0x7b: {  	_ =	shalt  }
0x7c: {  	_ =	shalt  }
0x7d: {  	_ =	shalt  }
0x7e: {  	_ =	shalt  }
0x7f: {  	_ =	shalt  }
0x80: {  	_ =	shalt  }
0x81: {  	_ =	shalt  }
0x82: {  	_ =	shalt  }
0x83: {  	_ =	shalt  }
0x84: {  	_ =	shalt  }
0x85: {  	_ =	shalt  }
0x86: {  	_ =	shalt  }
0x87: {  	_ =	shalt  }
.Lfunc_end0:
.L_simem_size_0:
called_computation_lowered:
.L_overlay_start_0:
0x88: {  	s2 =	sld [smem:$0x3FD9]  }
0x89: {  	s3 =	sld [smem:$0x3FFE];
	_ =	sdelay $0x1  }
0x8a: {  	s1 =	srdreg.scid  }
0x8b: {  	s0 =	sand.u32 $0x1, s1  }
0x8c: {  	s17 =	sshll.u32 s0, $0xA;
	s2 =	sadd.s32 s3, s2  }
0x8d: {  	s2 =	sadd.s32 s2, s17  }
0x8e: {  	[smem:$0x3FBE] =	sst s2  }
0x8f: {  	_ = 	snop  }
0x90: {  	s2 =	sld [smem:$0x3FC8]  }
0x91: {  	s18 =	sld [smem:$0x3FC7]  }
0x92: {  	s4 =	sld [smem:$0x3FC6]  }
0x93: {  	s5 =	sld [smem:$0x3FC5]  }
0x94: {  	s6 =	sld [smem:$0x3FC4]  }
0x95: {  	s7 =	sld [smem:$0x3FC3]  }
0x96: {  	s8 =	sld [smem:$0x3FC2]  }
0x97: {  	s9 =	sld [smem:$0x3FC1]  }
0x98: {  	s10 =	sld [smem:$0x3FC0]  }
0x99: {  	s11 =	sld [smem:$0x3FD0];
	(tm) =	ssettm $0x1  }
0x9a: {  	s12 =	sld [smem:$0x3FFB];
	_ =	sdelay $0x3  }
0x9b: {  	_ =	strace s12  }
0x9c: {  	s12 =	sld [smem:$0x3FFC];
	_ =	sdelay $0x3  }
0x9d: {  	_ =	strace s12  }
0x9e: {  	s12 =	sld [smem:$0x3FFD];
	_ =	sdelay $0x3  }
0x9f: {  	_ =	strace s12  }
0xa0: {  	_ =	strace $0x8FFFFFFF  }
0xa1: {  	s19 =	sld [smem:$0x3FDB];
	_ =	sdelay $0x1  }
0xa2: {  	s13 =	simm.s32 $_scs_section_size  }
0xa3: {  	s14 =	simm.s32 $_size__tile_overlayer_lowered;
	s15 =	simm.s32 $_tile_overlayer_lowered  }
0xa4: {  	s22 =	simm.s32 $0x1BFF;
	s21 =	sshll.u32 s15, $0x1;
	s12 =	sadd.s32 s13, s19  }
0xa5: {  	s16 =	simm.s32 $0x0;
	s20 =	sshll.u32 s14, $0x1;
	s14 =	sadd.s32 s21, s12  }
0xa6: {  	[timem:s16], [sflag:s22] =	dma.local [hbm:s14], s20  }
0xa7: {  	_ =	swait.ge [sflag:s22], s20  }
0xa8: {  	s13 =	ssub.s32 $0x0, s20;
	[sflag:s22] =	ssyncset.done $0x0  }
0xa9: {  	[sflag:s22] =	ssyncadd.s32 s13;
	_ =	sdelay $0x1  }
0xaa: {  	s23 =	simm.s32 $0x1B8B  }
0xab: {  	_ =	swait.ge [sflag:s23], $0x1  }
0xac: {  	[sflag:s23] =	ssyncset.done $0x0  }
0xad: {  	s25 =	simm.s32 $0x1B8E;
	s24 =	sld [smem:$0x3FFE];
	[sflag:s23] =	ssyncadd.s32 $0xFFFFFFFF  }
0xae: {  	s26 =	simm.s32 $execute0_lowered;
	[smem:$0x3FD2] =	sst s25  }
0xaf: {  	s14 =	sshll.u32 s26, $0x1;
	_ =	strace $0x80000046;
	[dreg:$0x1] =	wrdreg $0xFFFFFFFF  }
0xb0: {  	s28 =	simm.s32 $_size_execute0_lowered;
	s12 =	sadd.s32 s12, s14;
	[dreg:$0x0] =	wrdreg $0x0  }
0xb1: {  	s14 =	sshll.u32 s28, $0x1;
	[dreg:$0x2] =	wrdreg s12  }
0xb2: {  	[dreg:$0x3] =	wrdreg s14  }
0xb3: {  	[dreg:$0x4] =	wrdreg $0xC0  }
0xb4: {  	_ =	task [dreg:s16], $0x5FFFF  }
0xb5: {  	[dreg:$0x1] =	wrdreg $0xFFFFFFFF  }
0xb6: {  	[dreg:$0x0] =	wrdreg $0x60  }
0xb7: {  	[dreg:$0x2] =	wrdreg s24  }
0xb8: {  	[dreg:$0x3] =	wrdreg s2  }
0xb9: {  	[dreg:$0x4] =	wrdreg s18  }
0xba: {  	[dreg:$0x5] =	wrdreg s4  }
0xbb: {  	[dreg:$0x6] =	wrdreg s5  }
0xbc: {  	[dreg:$0x7] =	wrdreg s6  }
0xbd: {  	[dreg:$0x8] =	wrdreg s7  }
0xbe: {  	[dreg:$0x9] =	wrdreg s8  }
0xbf: {  	[dreg:$0xa] =	wrdreg s9  }
0xc0: {  	[dreg:$0xb] =	wrdreg s10  }
0xc1: {  	[dreg:$0xc] =	wrdreg s11  }
0xc2: {  	[dreg:$0xd] =	wrdreg $0x9  }
0xc3: {  	_ =	task.clear_ibuf [dreg:s16], $0xEFFFF;
	_ =	strace $0x90000046  }
0xc4: {  	s29 =	simm.s32 $0x9;
	_ =	strace $0x80000048  }
0xc5: {  	_ =	swait.ge [sflag:s29], $0x1  }
0xc6: {  	[sflag:s29] =	ssyncadd.s32 $0xFFFFFFFF  }
0xc7: {  	_ =	strace $0x90000048  }
0xc8: {  	_ =	sfence  }
0xc9: {  	s30 =	sld [smem:$0x0];
	_ =	sdelay $0x2  }
0xca: {  	s31 =	sshll.u32 s1, $0xD;
	s1 =	sshrl.u32 s1, $0x2  }
0xcb: {  	s3 =	sand.u32 $0x4000, s31;
	s1 =	sadd.s32 s1, s30  }
0xcc: {  	s0 =	sor.u32 s3, s0;
	s1 =	sshll.u32 s1, $0x11  }
0xcd: {  	s0 =	sor.u32 s1, s0  }
0xce: {  	s0 =	sadd.s32 $0x8F2B, s0  }
0xcf: {  	[sflag:s0] =	ssyncadd.remote.s32 $0x1  }
0xd0: {  	_ =	sfence.sel $0xFFFF  }
0xd1: {  	[dreg:$0x0] =	wrdreg $0xFFFFFFFF;
	(pc) =	sbr.abs _section_cstart, $3  }
0xd2: {  	[dreg:$0x1] =	wrdreg $0xFFFFFFFF  }
0xd3: {  	_ =	task.clear_ibuf [dreg:s16], $0x2FFFF;
	_ =	strace $0x9FFFFFFF  }
0xd4: {  	(tm) =	ssettm $0x7FFFFFFF  }
0xd5: {  	_ =	shalt  }
tec
execute0_lowered:
.L_overlay_start_1:
0x0: {  	(tag) =	ssettag $0x1  }
0x1: {  	s3 =	rddreg [dreg:$0x0]  }
0x2: {  	s4 =	rddreg [dreg:$0x1]  }
0x3: {  	s5 =	rddreg [dreg:$0x2]  }
0x4: {  	s6 =	rddreg [dreg:$0x3]  }
0x5: {  	s7 =	rddreg [dreg:$0x4]  }
0x6: {  	s8 =	rddreg [dreg:$0x5]  }
0x7: {  	s9 =	rddreg [dreg:$0x6]  }
0x8: {  	s10 =	rddreg [dreg:$0x7]  }
0x9: {  	s11 =	rddreg [dreg:$0x8];
	s1 =	srdreg.scid  }
0xa: {  	s0 =	stileid.u32;
	s12 =	rddreg [dreg:$0x9]  }
0xb: {  	s14 =	rddreg [dreg:$0xa];
	s2 =	simm.s32 $0x0;
	s17 =	simm.s32 $0x18200  }
0xc: {  	s18 =	simm.s32 $0x18E80;
	s19 =	simm.s32 $0x19B00;
	s20 =	simm.s32 $0x1A780  }
0xd: {  	s21 =	simm.s32 $0x1B400;
	s22 =	simm.s32 $0x1C080;
	s23 =	simm.s32 $0x1CD00  }
0xe: {  	s24 =	simm.s32 $0x1;
	s13 =	sand.u32 $0x1, s1;
	s30 =	sshll.u32 s0, $0x1  }
0xf: {  	s25 =	simm.s32 $0x1D980;
	s26 =	simm.s32 $0x2;
	s15 =	sor.u32 s13, s30  }
0x10: {  	s28 =	simm.s32 $0x0;
	s1 =	rddreg [dreg:$0xb];
	s15 =	smul.u32 $0xC40, s15  }
0x11: {  	[smem:$0x7FF] =	sst s2;
	s3 =	sadd.s32 $0x400, s3;
	s13 =	ssub.s32 $0x2, s13  }
0x12: {  	_ =	strace $0x80000047;
	s16 =	sshrl.u32 s13, $0x1;
	s15 =	smin.u32 s15, $0x17A60  }
0x13: {  	s16 =	ssub.s32 s13, s16;
	s31 =	sshrl.u32 s15, $0x3;
	s15 =	simm.s32 $0x16900  }
0x14: {  	s4 =	sadd.s32 s4, s31;
	s5 =	sadd.s32 s5, s31;
	s6 =	sadd.s32 s6, s31  }
0x15: {  	s7 =	sadd.s32 s7, s31;
	s8 =	sadd.s32 s8, s31;
	s9 =	sadd.s32 s9, s31  }
0x16: {  	s10 =	sadd.s32 s10, s31;
	s11 =	sadd.s32 s11, s31;
	s12 =	sadd.s32 s12, s31  }
0x17: {  	s13 =	sadd.s32 s14, s31;
	s14 =	smax.u32 s16, $0x1;
	s16 =	simm.s32 $0x17580  }
.LBB2_1:
0x18: {  	[tilespmem:s2], [sflag:$0x1] =	stream.linear.gather [hbm4b:s3+s2], $0x16900, $0x38;
	[tilespmem:$0x1E600] =	vst v63  }
0x19: {  	_ = 	snop  }
0x1a: {  	[tilespmem:s15], [sflag:$0x1] =	stream.linear.gather [hbm4b:s4+s2], $0xC40, $0x38;
	[tilespmem:$0x1E600] =	vst v63  }
0x1b: {  	_ = 	snop  }
0x1c: {  	[tilespmem:s16], [sflag:$0x1] =	stream.linear.gather [hbm4b:s5+s2], $0xC40, $0x38;
	[tilespmem:$0x1E600] =	vst v63  }
0x1d: {  	_ = 	snop  }
0x1e: {  	[tilespmem:s17], [sflag:$0x1] =	stream.linear.gather [hbm4b:s6+s2], $0xC40, $0x38;
	[tilespmem:$0x1E600] =	vst v63  }
0x1f: {  	_ = 	snop  }
0x20: {  	[tilespmem:s18], [sflag:$0x1] =	stream.linear.gather [hbm4b:s7+s2], $0xC40, $0x38;
	[tilespmem:$0x1E600] =	vst v63  }
0x21: {  	_ = 	snop  }
0x22: {  	[tilespmem:s19], [sflag:$0x1] =	stream.linear.gather [hbm4b:s8+s2], $0xC40, $0x38;
	[tilespmem:$0x1E600] =	vst v63  }
0x23: {  	_ = 	snop  }
0x24: {  	[tilespmem:s20], [sflag:$0x1] =	stream.linear.gather [hbm4b:s9+s2], $0xC40, $0x38;
	[tilespmem:$0x1E600] =	vst v63  }
0x25: {  	_ = 	snop  }
0x26: {  	[tilespmem:s21], [sflag:$0x1] =	stream.linear.gather [hbm4b:s10+s2], $0xC40, $0x38;
	[tilespmem:$0x1E600] =	vst v63  }
0x27: {  	_ = 	snop  }
0x28: {  	[tilespmem:s22], [sflag:$0x1] =	stream.linear.gather [hbm4b:s11+s2], $0xC40, $0x38;
	[tilespmem:$0x1E600] =	vst v63  }
0x29: {  	_ = 	snop  }
0x2a: {  	[tilespmem:s23], [sflag:$0x1] =	stream.linear.gather [hbm4b:s12+s2], $0xC40, $0x38;
	[tilespmem:$0x1E600] =	vst v63  }
0x2b: {  	_ =	swait.ge [sflag:s24], $0x16900  }
0x2c: {  	[sflag:s24] =	ssyncset.done $0x0  }
0x2d: {  	[sflag:s24] =	ssyncadd.s32 $0xFFFE9700  }
0x2e: {  	_ =	swait.ge [sflag:s24], $0xC40  }
0x2f: {  	[sflag:s24] =	ssyncset.done $0x0  }
0x30: {  	[sflag:s24] =	ssyncadd.s32 $0xFFFFF3C0  }
0x31: {  	_ =	swait.ge [sflag:s24], $0xC40  }
0x32: {  	[sflag:s24] =	ssyncset.done $0x0  }
0x33: {  	[sflag:s24] =	ssyncadd.s32 $0xFFFFF3C0  }
0x34: {  	_ =	swait.ge [sflag:s24], $0xC40  }
0x35: {  	[sflag:s24] =	ssyncset.done $0x0  }
0x36: {  	[sflag:s24] =	ssyncadd.s32 $0xFFFFF3C0  }
0x37: {  	_ =	swait.ge [sflag:s24], $0xC40  }
0x38: {  	[sflag:s24] =	ssyncset.done $0x0  }
0x39: {  	[sflag:s24] =	ssyncadd.s32 $0xFFFFF3C0  }
0x3a: {  	_ =	swait.ge [sflag:s24], $0xC40  }
0x3b: {  	[sflag:s24] =	ssyncset.done $0x0  }
0x3c: {  	[sflag:s24] =	ssyncadd.s32 $0xFFFFF3C0  }
0x3d: {  	_ =	swait.ge [sflag:s24], $0xC40  }
0x3e: {  	[sflag:s24] =	ssyncset.done $0x0  }
0x3f: {  	[sflag:s24] =	ssyncadd.s32 $0xFFFFF3C0  }
0x40: {  	_ =	swait.ge [sflag:s24], $0xC40  }
0x41: {  	[sflag:s24] =	ssyncset.done $0x0  }
0x42: {  	[sflag:s24] =	ssyncadd.s32 $0xFFFFF3C0  }
0x43: {  	_ =	swait.ge [sflag:s24], $0xC40  }
0x44: {  	[sflag:s24] =	ssyncset.done $0x0  }
0x45: {  	[sflag:s24] =	ssyncadd.s32 $0xFFFFF3C0  }
0x46: {  	_ =	swait.ge [sflag:s24], $0xC40  }
0x47: {  	[sflag:s24] =	ssyncset.done $0x0  }
0x48: {  	s29 =	simm.s32 $0x0;
	[sflag:s24] =	ssyncadd.s32 $0xFFFFF3C0  }
.LBB2_2:
0x49: {  	s30 =	sshll.u32 s29, $0x4  }
0x4a: {  	v0 =	vld [tilespmem:s30+$0x17580]  }
0x4b: {  	v1 =	vld [tilespmem:s30+$0x18E80]  }
0x4c: {  	v2 =	vld [tilespmem:s30+$0x18200]  }
0x4d: {  	v3 =	vld [tilespmem:s30+$0x19B00]  }
0x4e: {  	v4 =	vld [tilespmem:s30+$0x1A780]  }
0x4f: {  	v5 =	vld [tilespmem:s30+$0x1C080]  }
0x50: {  	v6 =	vld [tilespmem:s30+$0x1B400]  }
0x51: {  	v7 =	vld [tilespmem:s30+$0x1CD00];
	_ =	sdelay $0x3  }
0x52: {  	v0 =	vadd.f32 v1, v0;
	v1 =	vadd.f32 v3, v2  }
0x53: {  	v2 =	vadd.f32 v5, v4;
	v3 =	vadd.f32 v7, v6  }
0x54: {  	v4 =	vmul.f32 $5.000000000e-01, v0;
	v1 =	vmul.f32 $5.000000000e-01, v1  }
0x55: {  	v0 =	vmul.f32 $5.000000000e-01, v2;
	v2 =	vmul.f32 $5.000000000e-01, v3;
	_ =	sdelay $0x1  }
0x56: {  	v3 =	vsub.f32 v0, v4;
	v2 =	vsub.f32 v2, v1;
	_ =	sdelay $0x1  }
0x57: {  	v0 =	vmul.f32 v3, v3;
	v5 =	vmul.f32 v2, v2;
	_ =	sdelay $0x1  }
0x58: {  	v0 =	vadd.f32 v5, v0;
	_ =	sdelay $0x1  }
0x59: {  	v5 =	vshra.s32 v0, $0x1;
	v6 =	vmul.f32 $5.000000000e-01, v0  }
0x5a: {  	v5 =	vsub.s32 $0x5F3759DF, v5  }
0x5b: {  	v7 =	vmul.f32 v5, v6;
	_ =	sdelay $0x1  }
0x5c: {  	v7 =	vmul.f32 v5, v7;
	_ =	sdelay $0x1  }
0x5d: {  	v7 =	vsub.f32 $1.500000000e+00, v7;
	_ =	sdelay $0x1  }
0x5e: {  	v5 =	vmul.f32 v5, v7;
	_ =	sdelay $0x1  }
0x5f: {  	v7 =	vmul.f32 v5, v6;
	_ =	sdelay $0x1  }
0x60: {  	v7 =	vmul.f32 v7, v5;
	_ =	sdelay $0x1  }
0x61: {  	v7 =	vsub.f32 $1.500000000e+00, v7;
	_ =	sdelay $0x1  }
0x62: {  	v5 =	vmul.f32 v7, v5;
	_ =	sdelay $0x1  }
0x63: {  	v6 =	vmul.f32 v5, v6;
	_ =	sdelay $0x1  }
0x64: {  	v6 =	vmul.f32 v6, v5;
	_ =	sdelay $0x1  }
0x65: {  	v6 =	vsub.f32 $1.500000000e+00, v6  }
0x66: {  	v7 =	vld [tilespmem:s30+$0x16900]  }
0x67: {  	v5 =	vmul.f32 v6, v5;
	_ =	sdelay $0x1  }
0x68: {  	v0 =	vmul.f32 v5, v0;
	_ =	sdelay $0x1  }
0x69: {  	v6 =	vmul.f32 $1.498962340e-01, v7;
	v5 =	vmul.f32 $5.000000000e-01, v0;
	_ =	sdelay $0x1  }
0x6a: {  	v5 =	vadd.f32 v5, v6  }
0x6b: {  	v4 =	vmul.f32 $5.000000000e-01, v4;
	v6 =	vmul.f32 $5.000000000e-01, v1  }
0x6c: {  	v2 =	vmul.f32 $3.937007860e-03, v2;
	v5 =	vsub.f32 $0.0e+00, v5  }
0x6d: {  	v7 =	vadd.f32 $1.515000000e+02, v4;
	v1 =	vmul.f32 $3.937007860e-03, v3;
	v6 =	vadd.f32 $1.515000000e+02, v6  }
0x6e: {  	s31 =	simm.s32 $0xFFFFFFF8;
	v4 =	vimm.f32 $0.0e+00;
	v3 =	vmul.f32 $2.186695490e-04, v0;
	v5 =	vmul.f32 $2.777103330e-02, v5  }
.LBB2_3:
0x6f: {  	v8 =	vtrunc.f32 v7;
	v9 =	vtrunc.f32 v6;
	v14 =	vadd.f32 v7, v1  }
0x70: {  	v15 =	vadd.f32 v6, v2;
	v18 =	vmul.f32 v5, v5;
	v8 =	vcvt.f32.s32 v8  }
0x71: {  	v5 =	vadd.f32 v5, v3;
	v9 =	vcvt.f32.s32 v9;
	v16 =	vtrunc.f32 v14  }
0x72: {  	v17 =	vtrunc.f32 v15;
	v18 =	vsub.f32 $0.0e+00, v18;
	v10 =	vmul.u32 $0x130, v8  }
0x73: {  	v21 =	vadd.f32 v14, v1;
	v38 =	vadd.f32 v15, v2;
	v47 =	vmul.f32 v5, v5  }
0x74: {  	v5 =	vadd.f32 v5, v3;
	v16 =	vcvt.f32.s32 v16;
	v10 =	vadd.s32 v9, v10  }
0x75: {  	v17 =	vcvt.f32.s32 v17;
	v8 =	vcvt.s32.f32 v8;
	v11 =	vadd.s32 $0x1, v10  }
0x76: {  	v23 =	vtrunc.f32 v21;
	v19 =	vmul.u32 $0x130, v16;
	v12 =	vadd.s32 $0x130, v10  }
0x77: {  	v18 =	vmul.f32 $1.442695020e+00, v18;
	v42 =	vtrunc.f32 v38;
	v13 =	vadd.s32 $0x131, v10  }
0x78: {  	v46 =	vadd.f32 v21, v1;
	v25 =	vadd.f32 v38, v2;
	v19 =	vadd.s32 v17, v19  }
0x79: {  	v51 =	vmul.f32 v5, v5;
	v5 =	vadd.f32 v5, v3;
	v37 =	vadd.s32 $0x1, v19;
	v10 =	vld.idx.msk [tilespmem:v10+s2+$0x0], $0xffff  }
0x7a: {  	v9 =	vcvt.s32.f32 v9;
	v40 =	vcvt.f32.s32 v23;
	v20 =	vadd.s32 $0x130, v19;
	v11 =	vld.idx.msk [tilespmem:v11+s2+$0x0], $0xffff  }
0x7b: {  	v16 =	vcvt.s32.f32 v16;
	(erf) = vpow2.f32 v18;
	v22 =	vadd.s32 $0x131, v19;
	v12 =	vld.idx.msk [tilespmem:v12+s2+$0x0], $0xffff  }
0x7c: {  	v7 =	vsub.f32 v7, v8;
	v26 =	vtrunc.f32 v46;
	v28 =	vtrunc.f32 v25;
	v13 =	vld.idx.msk [tilespmem:v13+s2+$0x0], $0xffff  }
0x7d: {  	v59 =	vadd.f32 v46, v1;
	v63 =	vadd.f32 v25, v2;
	v33 =	vmul.f32 v5, v5;
	v39 =	vld.idx.msk [tilespmem:v19+s2+$0x0], $0xffff  }
0x7e: {  	v5 =	vadd.f32 v5, v3;
	v6 =	vsub.f32 v6, v9;
	v26 =	vcvt.f32.s32 v26;
	v41 =	vld.idx.msk [tilespmem:v37+s2+$0x0], $0xffff  }
0x7f: {  	v44 =	vmul.u32 $0x130, v40;
	v17 =	vcvt.s32.f32 v17;
	v55 =	vcvt.s32.f32 v40;
	v43 =	vld.idx.msk [tilespmem:v20+s2+$0x0], $0xffff  }
0x80: {  	v14 =	vsub.f32 v14, v16;
	v28 =	vcvt.f32.s32 v28;
	v29 =	vmul.u32 $0x130, v26;
	v45 =	vld.idx.msk [tilespmem:v22+s2+$0x0], $0xffff  }
0x81: {  	v15 =	vsub.f32 v15, v17;
	v56 =	vsub.f32 v21, v55;
	v26 =	vcvt.s32.f32 v26  }
0x82: {  	v50 =	vadd.s32 v28, v29;
	v8 =	vsub.f32 v12, v10;
	v13 =	vsub.f32 v13, v11  }
0x83: {  	v34 =	vcvt.s32.f32 v28;
	v29 =	vadd.s32 $0x1, v50;
	v53 =	vadd.s32 $0x130, v50  }
0x84: {  	v8 =	vmul.f32 v8, v7;
	v7 =	vmul.f32 v13, v7;
	v12 =	vsub.f32 v43, v39  }
0x85: {  	v54 =	vadd.s32 $0x131, v50;
	v18 =	vsub.f32 v45, v41;
	v13 =	vsub.f32 v46, v26  }
0x86: {  	v8 =	vadd.f32 v8, v10;
	v7 =	vadd.f32 v7, v11;
	v11 =	vcvt.f32.s32 v42  }
0x87: {  	v43 =	vadd.f32 v59, v1;
	v12 =	vmul.f32 v12, v14;
	v14 =	vmul.f32 v18, v14  }
0x88: {  	v45 =	vadd.f32 v63, v2;
	v7 =	vsub.f32 v7, v8;
	v20 =	vadd.s32 v11, v44  }
0x89: {  	v9 =	vadd.f32 v12, v39;
	v10 =	vadd.f32 v14, v41;
	v24 =	vadd.s32 $0x1, v20  }
0x8a: {  	v57 =	vld.idx.msk [tilespmem:v29+s2+$0x0], $0xffff;
	v22 =	vadd.f32 v45, v2;
	v27 =	vadd.s32 $0x131, v20;
	v6 =	vmul.f32 v7, v6  }
0x8b: {  	v58 =	vld.idx.msk [tilespmem:v53+s2+$0x0], $0xffff;
	v48 =	vadd.s32 $0x130, v20;
	v7 =	vsub.f32 $0.0e+00, v47;
	v10 =	vsub.f32 v10, v9  }
0x8c: {  	v46 =	vtrunc.f32 v43;
	v39 =	vsub.f32 v25, v34;
	v6 =	vadd.f32 v6, v8;
	v8 =	vld.idx.msk [tilespmem:v50+s2+$0x0], $0xffff  }
0x8d: {  	v26 =	vadd.f32 v22, v2;
	v7 =	vmul.f32 $1.442695020e+00, v7;
	v10 =	vmul.f32 v10, v15;
	v20 =	vld.idx.msk [tilespmem:v20+s2+$0x0], $0xffff  }
0x8e: {  	v60 =	vcvt.s32.f32 v11;
	v50 =	vadd.f32 v43, v1;
	v49 =	vld.idx.msk [tilespmem:v24+s2+$0x0], $0xffff;
	v24 =	vsub.f32 $0.0e+00, v51  }
0x8f: {  	v29 =	vpop (erf);
	v52 =	vld.idx.msk [tilespmem:v27+s2+$0x0], $0xffff;
	(erf) = vpow2.f32 v7;
	v9 =	vadd.f32 v10, v9;
	v27 =	vtrunc.f32 v63  }
0x90: {  	v16 =	vld.idx.msk [tilespmem:v48+s2+$0x0], $0xffff;
	v10 =	vsub.f32 v38, v60;
	v6 =	vmul.f32 v6, v29;
	v48 =	vcvt.f32.s32 v46  }
0x91: {  	v38 =	vsub.f32 $0.0e+00, v33;
	v33 =	vtrunc.f32 v26;
	v18 =	vcvt.f32.s32 v27  }
0x92: {  	v27 =	vadd.f32 v50, v1;
	v7 =	vmul.f32 $1.442695020e+00, v24;
	v24 =	vtrunc.f32 v59  }
0x93: {  	v62 =	vld.idx.msk [tilespmem:v54+s2+$0x0], $0xffff;
	v23 =	vcvt.f32.s32 v33;
	v19 =	vcvt.f32.s32 v24;
	v12 =	vsub.f32 v58, v8  }
0x94: {  	v4 =	vadd.f32 v6, v4;
	v47 =	vcvt.s32.f32 v18;
	(erf) = vpow2.f32 v7  }
0x95: {  	v16 =	vsub.f32 v16, v20;
	v7 =	vsub.f32 v52, v49;
	v12 =	vmul.f32 v12, v13  }
0x96: {  	v30 =	vmul.u32 $0x130, v19;
	v44 =	vcvt.s32.f32 v19;
	v52 =	vtrunc.f32 v50  }
0x97: {  	v51 =	vmul.u32 $0x130, v48;
	v61 =	vmul.f32 v16, v56;
	v7 =	vmul.f32 v7, v56  }
0x98: {  	v54 =	vcvt.f32.s32 v52;
	v16 =	vsub.f32 v62, v57;
	v31 =	vadd.s32 v18, v30  }
0x99: {  	v32 =	vadd.s32 $0x1, v31;
	v11 =	vadd.f32 v61, v20;
	v7 =	vadd.f32 v7, v49  }
0x9a: {  	v14 =	vsub.f32 v63, v47;
	v35 =	vadd.s32 $0x130, v31;
	v37 =	vadd.s32 $0x131, v31  }
0x9b: {  	v21 =	vcvt.s32.f32 v54;
	v13 =	vmul.f32 v16, v13;
	v7 =	vsub.f32 v7, v11  }
0x9c: {  	v8 =	vadd.f32 v12, v8;
	v49 =	vtrunc.f32 v45;
	v61 =	vtrunc.f32 v27  }
0x9d: {  	v6 =	vpop (erf);
	v36 =	vadd.f32 v13, v57;
	v40 =	vld.idx.msk [tilespmem:v31+s2+$0x0], $0xffff;
	v7 =	vmul.f32 v7, v10;
	v10 =	vmul.f32 $1.442695020e+00, v38  }
0x9e: {  	v58 =	vmul.u32 $0x130, v54;
	v6 =	vmul.f32 v9, v6;
	v19 =	vcvt.f32.s32 v49;
	v41 =	vld.idx.msk [tilespmem:v32+s2+$0x0], $0xffff  }
0x9f: {  	v57 =	vtrunc.f32 v22;
	v12 =	vsub.f32 v36, v8;
	v42 =	vld.idx.msk [tilespmem:v35+s2+$0x0], $0xffff;
	(erf) = vpow2.f32 v10  }
0xa0: {  	v28 =	vcvt.f32.s32 v61;
	v53 =	vadd.s32 v19, v51;
	v25 =	vcvt.f32.s32 v57;
	v13 =	vld.idx.msk [tilespmem:v37+s2+$0x0], $0xffff  }
0xa1: {  	v4 =	vadd.f32 v6, v4;
	v55 =	vadd.s32 $0x1, v53;
	v9 =	vmul.f32 v12, v39  }
0xa2: {  	v56 =	vadd.s32 $0x130, v53;
	v60 =	vadd.s32 v25, v58;
	v7 =	vadd.f32 v7, v11  }
0xa3: {  	v31 =	vmul.u32 $0x130, v28;
	v6 =	vpop (erf);
	v62 =	vadd.s32 $0x130, v60;
	v8 =	vadd.f32 v9, v8  }
0xa4: {  	v6 =	vmul.f32 v7, v6;
	v9 =	vsub.f32 v59, v44;
	v12 =	vsub.f32 v42, v40  }
0xa5: {  	v7 =	vmul.f32 v5, v5;
	v59 =	vadd.s32 $0x131, v53;
	v13 =	vsub.f32 v13, v41  }
0xa6: {  	v19 =	vcvt.s32.f32 v19;
	v30 =	vadd.s32 $0x1, v60;
	v63 =	vld.idx.msk [tilespmem:v55+s2+$0x0], $0xffff;
	v12 =	vmul.f32 v12, v9  }
0xa7: {  	v5 =	vadd.f32 v5, v3;
	v24 =	vld.idx.msk [tilespmem:v56+s2+$0x0], $0xffff;
	v7 =	vsub.f32 $0.0e+00, v7;
	v9 =	vmul.f32 v13, v9  }
0xa8: {  	v34 =	vadd.s32 $0x131, v60;
	v4 =	vadd.f32 v6, v4;
	v13 =	vld.idx.msk [tilespmem:v53+s2+$0x0], $0xffff;
	v12 =	vadd.f32 v12, v40;
	v6 =	vpop (erf)  }
0xa9: {  	v36 =	vld.idx.msk [tilespmem:v62+s2+$0x0], $0xffff;
	v9 =	vadd.f32 v9, v41;
	v6 =	vmul.f32 v8, v6;
	v8 =	vadd.s32 v23, v31  }
0xaa: {  	v49 =	vcvt.s32.f32 v28;
	v7 =	vmul.f32 $1.442695020e+00, v7;
	v11 =	vld.idx.msk [tilespmem:v59+s2+$0x0], $0xffff;
	v37 =	vadd.s32 $0x1, v8  }
0xab: {  	v42 =	vadd.f32 v5, v3;
	v40 =	vld.idx.msk [tilespmem:v30+s2+$0x0], $0xffff;
	v9 =	vsub.f32 v9, v12;
	v38 =	vadd.s32 $0x130, v8  }
0xac: {  	v5 =	vmul.f32 v5, v5;
	(erf) = vpow2.f32 v7;
	v7 =	vld.idx.msk [tilespmem:v60+s2+$0x0], $0xffff;
	v41 =	vadd.s32 $0x131, v8  }
0xad: {  	v20 =	vsub.f32 v50, v21;
	v51 =	vsub.f32 v27, v49;
	v9 =	vmul.f32 v9, v14;
	v14 =	vld.idx.msk [tilespmem:v34+s2+$0x0], $0xffff  }
0xae: {  	v35 =	vcvt.s32.f32 v48;
	v10 =	vsub.f32 v45, v19;
	v5 =	vsub.f32 $0.0e+00, v5;
	v8 =	vld.idx.msk [tilespmem:v8+s2+$0x0], $0xffff  }
0xaf: {  	v54 =	vcvt.s32.f32 v25;
	v44 =	vadd.f32 v42, v3;
	v39 =	vsub.f32 v24, v13;
	v18 =	vld.idx.msk [tilespmem:v37+s2+$0x0], $0xffff  }
0xb0: {  	v5 =	vmul.f32 $1.442695020e+00, v5;
	v9 =	vadd.f32 v9, v12;
	v12 =	vsub.f32 v43, v35;
	v45 =	vld.idx.msk [tilespmem:v38+s2+$0x0], $0xffff  }
0xb1: {  	v48 =	vmul.f32 v44, v44;
	v11 =	vsub.f32 v11, v63;
	v43 =	vmul.f32 v42, v42;
	v47 =	vld.idx.msk [tilespmem:v41+s2+$0x0], $0xffff  }
0xb2: {  	(erf) = vpow2.f32 v5;
	v17 =	vsub.f32 v36, v7;
	v16 =	vmul.f32 v39, v12  }
0xb3: {  	v11 =	vmul.f32 v11, v12;
	v46 =	vsub.f32 $0.0e+00, v43;
	v5 =	vsub.f32 v14, v40  }
0xb4: {  	v50 =	vsub.f32 $0.0e+00, v48;
	v17 =	vmul.f32 v17, v20;
	v13 =	vadd.f32 v16, v13  }
0xb5: {  	v11 =	vadd.f32 v11, v63;
	v16 =	vmul.f32 $1.442695020e+00, v46;
	v5 =	vmul.f32 v5, v20  }
0xb6: {  	v14 =	vmul.f32 $1.442695020e+00, v50;
	v52 =	vsub.f32 v45, v8;
	v53 =	vsub.f32 v47, v18  }
0xb7: {  	v7 =	vadd.f32 v17, v7;
	(erf) = vpow2.f32 v16;
	v5 =	vadd.f32 v5, v40  }
0xb8: {  	v56 =	vsub.f32 v22, v54;
	v16 =	vmul.f32 v52, v51;
	v55 =	vmul.f32 v53, v51  }
0xb9: {  	v11 =	vsub.f32 v11, v13;
	(erf) = vpow2.f32 v14;
	v5 =	vsub.f32 v5, v7  }
0xba: {  	v58 =	vcvt.s32.f32 v23;
	v8 =	vadd.f32 v16, v8;
	v14 =	vadd.f32 v55, v18  }
0xbb: {  	v10 =	vmul.f32 v11, v10  }
0xbc: {  	v60 =	vsub.f32 v26, v58;
	v57 =	vpop (erf);
	v5 =	vmul.f32 v5, v56;
	v61 =	vsub.f32 v14, v8  }
0xbd: {  	v4 =	vadd.f32 v6, v4;
	v6 =	vmul.f32 v9, v57;
	v59 =	vadd.f32 v10, v13  }
0xbe: {  	v62 =	vpop (erf);
	v5 =	vadd.f32 v5, v7;
	v7 =	vmul.f32 v61, v60  }
0xbf: {  	s31 =	sadd.s32 $0x8, s31;
	v4 =	vadd.f32 v6, v4;
	v6 =	vmul.f32 v59, v62  }
0xc0: {  	p0 =	slt.u32 s31, $0x78;
	v63 =	vpop (erf)  }
.Ltmp0:
0xc1: {  	v4 =	vadd.f32 v6, v4;
	v5 =	vmul.f32 v5, v63;
	v6 =	vadd.f32 v7, v8;
	(pc) =	sbr.rel @p0 .LBB2_3-.Ltmp0, $4  }
0xc2: {  	v7 =	vpop (erf)  }
0xc3: {  	v4 =	vadd.f32 v5, v4;
	v5 =	vmul.f32 v6, v7  }
0xc4: {  	v7 =	vadd.f32 v27, v1;
	v6 =	vadd.f32 v26, v2  }
0xc5: {  	v4 =	vadd.f32 v5, v4;
	v5 =	vadd.f32 v44, v3  }
0xc6: {  	s29 =	sadd.s32 $0x1, s29  }
0xc7: {  	p0 =	sne.s32 s29, $0xC4  }
.Ltmp1:
0xc8: {  	v0 =	vmul.f32 $7.874015710e-03, v0;
	(pc) =	sbr.rel @p0 .LBB2_2-.Ltmp1, $3  }
0xc9: {  	_ = 	snop  }
0xca: {  	v0 =	vmul.f32 v4, v0;
	_ =	sdelay $0x1  }
0xcb: {  	[tilespmem:s30+$0x1D980] =	vst v0  }
0xcc: {  	s28 =	sadd.s32 $0x1, s28  }
0xcd: {  	p0 =	sne.s32 s28, s14  }
.Ltmp2:
0xce: {  	_ = 	snop;
	(pc) =	sbr.rel @p0 .LBB2_1-.Ltmp2, $4  }
0xcf: {  	[hbm4b:s13+s2] =	stream.linear.scatter [tilespmem:s25], [sflag:$0x2], $0xC40, $0x38;
	[tilespmem:$0x1E600] =	vst v63  }
0xd0: {  	_ =	swait.ge [sflag:s26], $0xC40  }
0xd1: {  	[sflag:s26] =	ssyncset.done $0x0  }
0xd2: {  	[sflag:s26] =	ssyncadd.s32 $0xFFFFF3C0  }
0xd3: {  	_ =	sfence.sel $0x180000  }
0xd4: {  	[bflag:$0x0] =	sbarrier.arrive $0xFFFF  }
0xd5: {  	p0 =	sne.s32 s0, $0x0;
	_ =	strace $0x90000047  }
0xd6: {  	s0 =	sadd.s32 @!p0 $0x100000, s1;
	[bflag:$0x2] =	sbarrier.arrive $0xFFFF  }
0xd7: {  	[sflag:s0] =	ssyncadd.tile.s32 @!p0 $0x1;
	_ =	shalt  }
.Lfunc_end2:
_tile_overlayer_lowered:
.L_overlay_start_2:
0xd8: {  	(tag) =	ssettag $0x2  }
0xd9: {  	s0 =	rddreg [dreg:$0x0];
	s2 =	stileid.u32  }
0xda: {  	s1 =	rddreg [dreg:$0x1];
	p0 =	sne.s32 s2, $0x0  }
0xdb: {  	s3 =	rddreg [dreg:$0x2];
	[bflag:$0x3] =	sbarrier.arrive $0xFFFF;
	s2 =	simm.s32 @!p0 $0x1C02  }
0xdc: {  	[timem:s3], [sflag:s2] =	dma.local @!p0 [hbm:s0], s1  }
0xdd: {  	s0 =	simm.s32 @!p0 $0x2  }
0xde: {  	_ =	swait.ge @!p0 [sflag:s0], s1  }
0xdf: {  	s1 =	ssub.s32 @!p0 $0x0, s1;
	[sflag:s0] =	ssyncset.done @!p0 $0x0  }
0xe0: {  	[sflag:s0] =	ssyncadd.s32 @!p0 s1  }
0xe1: {  	[bflag:$0x3] =	sbarrier.arrive $0xFFFF  }
0xe2: {  	_ =	shalt  }

</sc_bundles>
